<compile_context>
chip_gen: v7x
topology: tpu7x:2x2x1
jax: 0.10.2.dev20260603
libtpu: 0.0.44.dev20260713+nightly
codegen_flags: <defaults>
</compile_context>

<pallas_src>
import functools

import jax
import jax.numpy as jnp
from jax import lax
from jax.experimental import pallas as pl
from jax.experimental.pallas import tpu as pltpu
from jax.experimental.pallas import tpu_sc as plsc

B = 16384
D = 64
NC = 2
NS = 16
NW = NC * NS
BPW = B // NW
L = 16
EPS = 1e-5

_mesh = plsc.VectorSubcoreMesh(core_axis_name="c", subcore_axis_name="s")


@functools.partial(
    pl.kernel,
    mesh=_mesh,
    out_type=jax.ShapeDtypeStruct((B, D), jnp.float32),
    scratch_types=[
        pltpu.VMEM((BPW,), jnp.int32),
        pltpu.VMEM((BPW, D), jnp.float32),
        pltpu.VMEM((D,), jnp.float32),
        pltpu.VMEM((D,), jnp.float32),
        pltpu.SemaphoreType.DMA,
    ],
)
def _embed_ln(ids_hbm, w_hbm, g_hbm, b_hbm, out_hbm, idx_v, rows_v, g_v, b_v, sem):
    wid = lax.axis_index("s") * NC + lax.axis_index("c")
    base = wid * BPW

    pltpu.sync_copy(ids_hbm.at[pl.ds(base, BPW)], idx_v)
    pltpu.sync_copy(g_hbm, g_v)
    pltpu.sync_copy(b_hbm, b_v)

    def issue(g, carry):
        vec = idx_v[pl.ds(g * L, L)]
        for k in range(L):
            pltpu.async_copy(w_hbm.at[vec[k]], rows_v.at[g * L + k], sem)
        return carry

    lax.fori_loop(0, BPW // L, issue, 0)
    pltpu.make_async_copy(out_hbm.at[pl.ds(0, BPW)], rows_v, sem).wait()

    gs = [g_v[pl.ds(c * L, L)] for c in range(D // L)]
    bs = [b_v[pl.ds(c * L, L)] for c in range(D // L)]

    iota = lax.iota(jnp.int32, L)
    perms = [iota ^ sh for sh in (1, 2, 4, 8)]

    def hsum(v):
        for p in perms:
            v = v + v.at[p].get(mode="promise_in_bounds")
        return v

    @plsc.parallel_loop(0, BPW, step=1, unroll=8)
    def body(r):
        vs = [rows_v[r, pl.ds(c * L, L)] for c in range(D // L)]
        s = (vs[0] + vs[1]) + (vs[2] + vs[3])
        mean = hsum(s) * (1.0 / D)
        ds_ = [v - mean for v in vs]
        sq = (ds_[0] * ds_[0] + ds_[1] * ds_[1]) + (ds_[2] * ds_[2] + ds_[3] * ds_[3])
        var = hsum(sq) * (1.0 / D)
        x = var + EPS
        xi = lax.bitcast_convert_type(x, jnp.int32)
        magic = jnp.full((L,), 0x5F3759DF, dtype=jnp.int32)
        y = lax.bitcast_convert_type(magic - (xi >> 1), jnp.float32)
        hx = x * -0.5
        for _ in range(3):
            y = y * (y * y * hx + 1.5)
        for c in range(D // L):
            rows_v[r, pl.ds(c * L, L)] = ds_[c] * y * gs[c] + bs[c]

    pltpu.sync_copy(rows_v, out_hbm.at[pl.ds(base, BPW)])


def kernel(input_ids, weight, gamma, beta):
    ids = input_ids.reshape(-1).astype(jnp.int32)
    out = _embed_ln(ids, weight, gamma, beta)
    return out.reshape(B, 1, D)

# --- scband reference (transcript-rebuilt; emitter-appended) ---
"""Pipeline reference for scband-label-embed-22789096472861 (READ-ONLY COPY).

The authoritative reference and input builder live on the scoring server;
editing this copy changes nothing except your own understanding.
"""

import jax, jax.numpy as jnp
import numpy as np

NUM_CLASSES = 100000
EMBED_DIM = 64
BATCH = 16384

def setup_inputs(seed: int = 0) -> dict:
    key = jax.random.key(seed)
    k1, k2 = jax.random.split(key)
    input_ids = jax.random.randint(k1, (BATCH,), 0, NUM_CLASSES, dtype=jnp.int64 if jax.config.jax_enable_x64 else jnp.int32)
    # weight has num_classes + 1 rows because dropout > 0 (extra 'null class' row)
    weight = 0.02 * jax.random.normal(k2, (NUM_CLASSES + 1, EMBED_DIM), dtype=jnp.float32)
    gamma = jnp.ones((EMBED_DIM,), dtype=jnp.float32)
    beta = jnp.zeros((EMBED_DIM,), dtype=jnp.float32)
    return {"input_ids": input_ids, "weight": weight, "gamma": gamma, "beta": beta}

def _layer_norm(x, gamma, beta, eps=1e-5):
    mean = jnp.mean(x, axis=-1, keepdims=True)
    var = jnp.mean(jnp.square(x - mean), axis=-1, keepdims=True)
    return (x - mean) / jnp.sqrt(var + eps) * gamma + beta

def reference(input_ids, weight, gamma, beta):
    # eval mode: no label dropout
    ids = input_ids[:, None] if input_ids.ndim == 1 else input_ids
    emb = jnp.take(weight, ids, axis=0)  # [B, 1, D]
    return _layer_norm(emb, gamma, beta)

if __name__ == "__main__":
    import jax
    _d = setup_inputs()
    print(jax.jit(kernel)(*tuple(_d.values())))

</pallas_src>

<mosaic_0001>
#map = affine_map<(d0, d1) -> (0)>
#map1 = affine_map<(d0, d1) -> (0, 0)>
module attributes {stable_mosaic.version = 14 : i64} {
  func.func @_embed_ln(%arg0: i32, %arg1: i32, %arg2: memref<16384xi32, #tpu.memory_space<hbm>>, %arg3: memref<100001x64xf32, #tpu.memory_space<hbm>>, %arg4: memref<64xf32, #tpu.memory_space<hbm>>, %arg5: memref<64xf32, #tpu.memory_space<hbm>>, %arg6: memref<16384x64xf32, #tpu.memory_space<hbm>>, %arg7: memref<512xi32, #tpu.memory_space<vmem>>, %arg8: memref<512x64xf32, #tpu.memory_space<vmem>>, %arg9: memref<64xf32, #tpu.memory_space<vmem>>, %arg10: memref<64xf32, #tpu.memory_space<vmem>>, %arg11: memref<!tpu.dma_semaphore, #tpu.memory_space<semaphore_mem>>) attributes {dimension_semantics = [#tpu.dimension_semantics<core_parallel>, #tpu.dimension_semantics<subcore_parallel>], iteration_bounds = array<i64: 2, 16>, scalar_prefetch = 0 : i64, scratch_operands = 5 : i64, tpu.core_type = #tpu.core_type<sc_vector_subcore>, window_params = [{transform_indices = #map}, {transform_indices = #map1}, {transform_indices = #map}, {transform_indices = #map}, {transform_indices = #map1}]} {
    %mul3A = arith.constant 2 : i32
    %mul3A_0 = arith.muli %arg1, %mul3A : i32
    %add3A = arith.addi %mul3A_0, %arg0 : i32
    %mul3A_1 = arith.constant 512 : i32
    %mul3A_2 = arith.muli %add3A, %mul3A_1 : i32
    "tpu.region"() ({
      %run_scoped3A = tpu.sem_alloc : memref<!tpu.dma_semaphore, #tpu.memory_space<semaphore_mem>>
      %dma_start3A = tpu.memref_slice %arg2[%mul3A_2] : memref<16384xi32, #tpu.memory_space<hbm>> -> memref<512xi32, #tpu.memory_space<hbm>>
      %dma_start3A_49 = tpu.memref_slice %arg2[%mul3A_2] : memref<16384xi32, #tpu.memory_space<hbm>> -> memref<512xi32, #tpu.memory_space<hbm>>
      tpu.enqueue_dma source(%dma_start3A_49 : memref<512xi32, #tpu.memory_space<hbm>>) target(%arg7 : memref<512xi32, #tpu.memory_space<vmem>>) target_semaphore(%run_scoped3A : memref<!tpu.dma_semaphore, #tpu.memory_space<semaphore_mem>>)
      %dma_wait3A_50 = tpu.memref_slice %arg2[%mul3A_2] : memref<16384xi32, #tpu.memory_space<hbm>> -> memref<512xi32, #tpu.memory_space<hbm>>
      %dma_wait3A_51 = tpu.memref_slice %arg2[%mul3A_2] : memref<16384xi32, #tpu.memory_space<hbm>> -> memref<512xi32, #tpu.memory_space<hbm>>
      tpu.wait_dma2 semaphore(%run_scoped3A : memref<!tpu.dma_semaphore, #tpu.memory_space<semaphore_mem>>) src(%dma_wait3A_51 : memref<512xi32, #tpu.memory_space<hbm>>) dst(%arg7 : memref<512xi32, #tpu.memory_space<vmem>>)
      tpu.yield
    }) : () -> ()
    "tpu.region"() ({
      %run_scoped3A = tpu.sem_alloc : memref<!tpu.dma_semaphore, #tpu.memory_space<semaphore_mem>>
      tpu.enqueue_dma source(%arg4 : memref<64xf32, #tpu.memory_space<hbm>>) target(%arg9 : memref<64xf32, #tpu.memory_space<vmem>>) target_semaphore(%run_scoped3A : memref<!tpu.dma_semaphore, #tpu.memory_space<semaphore_mem>>)
      tpu.wait_dma2 semaphore(%run_scoped3A : memref<!tpu.dma_semaphore, #tpu.memory_space<semaphore_mem>>) src(%arg4 : memref<64xf32, #tpu.memory_space<hbm>>) dst(%arg9 : memref<64xf32, #tpu.memory_space<vmem>>)
      tpu.yield
    }) : () -> ()
    "tpu.region"() ({
      %run_scoped3A = tpu.sem_alloc : memref<!tpu.dma_semaphore, #tpu.memory_space<semaphore_mem>>
      tpu.enqueue_dma source(%arg5 : memref<64xf32, #tpu.memory_space<hbm>>) target(%arg10 : memref<64xf32, #tpu.memory_space<vmem>>) target_semaphore(%run_scoped3A : memref<!tpu.dma_semaphore, #tpu.memory_space<semaphore_mem>>)
      tpu.wait_dma2 semaphore(%run_scoped3A : memref<!tpu.dma_semaphore, #tpu.memory_space<semaphore_mem>>) src(%arg5 : memref<64xf32, #tpu.memory_space<hbm>>) dst(%arg10 : memref<64xf32, #tpu.memory_space<vmem>>)
      tpu.yield
    }) : () -> ()
    %scan3A = arith.constant 0 : i32
    %scan3A_3 = arith.constant 0 : i32
    %scan3A_4 = arith.constant 32 : i32
    %scan3A_5 = arith.addi %scan3A_3, %scan3A_4 : i32
    %scan3A_6 = arith.constant 1 : i32
    scf.for %scan3A_49 = %scan3A_3 to %scan3A_5 step %scan3A_6  : i32 {
      %mul3A_50 = arith.constant 16 : i32
      %mul3A_51 = arith.muli %scan3A_49, %mul3A_50 : i32
      %get3A_52 = arith.index_cast %mul3A_51 : i32 to index
      %get3A_53 = tpu.vector_load %arg7[%get3A_52] {strides = array<i32>} : memref<512xi32, #tpu.memory_space<vmem>>, vector<16xi32>,
      %get3A_54 = vector.shape_cast %get3A_53 : vector<16xi32> to vector<16xi32>
      %slice3A = vector.extract_strided_slice %get3A_54 {offsets = [0], sizes = [1], strides = [1]} : vector<16xi32> to vector<1xi32>
      %squeeze3A = vector.extract %slice3A[0] : i32 from vector<1xi32>
      %mul3A_55 = arith.constant 16 : i32
      %mul3A_56 = arith.muli %scan3A_49, %mul3A_55 : i32
      %add3A_57 = arith.constant 0 : i32
      %add3A_58 = arith.addi %mul3A_56, %add3A_57 : i32
      %dma_start3A = arith.constant 0 : i32
      %dma_start3A_59 = tpu.memref_slice %arg8[%add3A_58, %dma_start3A] : memref<512x64xf32, #tpu.memory_space<vmem>> -> memref<1x64xf32, #tpu.memory_space<vmem>>
      %dma_start3A_60 = tpu.memref_squeeze %dma_start3A_59 : memref<1x64xf32, #tpu.memory_space<vmem>> -> memref<64xf32, #tpu.memory_space<vmem>>
      %dma_start3A_61 = arith.constant 0 : i32
      %dma_start3A_62 = tpu.memref_slice %arg3[%squeeze3A, %dma_start3A_61] : memref<100001x64xf32, #tpu.memory_space<hbm>> -> memref<1x64xf32, #tpu.memory_space<hbm>>
      %dma_start3A_63 = tpu.memref_squeeze %dma_start3A_62 : memref<1x64xf32, #tpu.memory_space<hbm>> -> memref<64xf32, #tpu.memory_space<hbm>>
      %dma_start3A_64 = arith.constant 0 : i32
      %dma_start3A_65 = tpu.memref_slice %arg8[%add3A_58, %dma_start3A_64] : memref<512x64xf32, #tpu.memory_space<vmem>> -> memref<1x64xf32, #tpu.memory_space<vmem>>
      %dma_start3A_66 = tpu.memref_squeeze %dma_start3A_65 : memref<1x64xf32, #tpu.memory_space<vmem>> -> memref<64xf32, #tpu.memory_space<vmem>>
      %dma_start3A_67 = arith.constant 0 : i32
      %dma_start3A_68 = tpu.memref_slice %arg3[%squeeze3A, %dma_start3A_67] : memref<100001x64xf32, #tpu.memory_space<hbm>> -> memref<1x64xf32, #tpu.memory_space<hbm>>
      %dma_start3A_69 = tpu.memref_squeeze %dma_start3A_68 : memref<1x64xf32, #tpu.memory_space<hbm>> -> memref<64xf32, #tpu.memory_space<hbm>>
      tpu.enqueue_dma source(%dma_start3A_69 : memref<64xf32, #tpu.memory_space<hbm>>) target(%dma_start3A_66 : memref<64xf32, #tpu.memory_space<vmem>>) target_semaphore(%arg11 : memref<!tpu.dma_semaphore, #tpu.memory_space<semaphore_mem>>)
      %slice3A_70 = vector.extract_strided_slice %get3A_54 {offsets = [1], sizes = [1], strides = [1]} : vector<16xi32> to vector<1xi32>
      %squeeze3A_71 = vector.extract %slice3A_70[0] : i32 from vector<1xi32>
      %mul3A_72 = arith.constant 16 : i32
      %mul3A_73 = arith.muli %scan3A_49, %mul3A_72 : i32
      %add3A_74 = arith.constant 1 : i32
      %add3A_75 = arith.addi %mul3A_73, %add3A_74 : i32
      %dma_start3A_76 = arith.constant 0 : i32
      %dma_start3A_77 = tpu.memref_slice %arg8[%add3A_75, %dma_start3A_76] : memref<512x64xf32, #tpu.memory_space<vmem>> -> memref<1x64xf32, #tpu.memory_space<vmem>>
      %dma_start3A_78 = tpu.memref_squeeze %dma_start3A_77 : memref<1x64xf32, #tpu.memory_space<vmem>> -> memref<64xf32, #tpu.memory_space<vmem>>
      %dma_start3A_79 = arith.constant 0 : i32
      %dma_start3A_80 = tpu.memref_slice %arg3[%squeeze3A_71, %dma_start3A_79] : memref<100001x64xf32, #tpu.memory_space<hbm>> -> memref<1x64xf32, #tpu.memory_space<hbm>>
      %dma_start3A_81 = tpu.memref_squeeze %dma_start3A_80 : memref<1x64xf32, #tpu.memory_space<hbm>> -> memref<64xf32, #tpu.memory_space<hbm>>
      %dma_start3A_82 = arith.constant 0 : i32
      %dma_start3A_83 = tpu.memref_slice %arg8[%add3A_75, %dma_start3A_82] : memref<512x64xf32, #tpu.memory_space<vmem>> -> memref<1x64xf32, #tpu.memory_space<vmem>>
      %dma_start3A_84 = tpu.memref_squeeze %dma_start3A_83 : memref<1x64xf32, #tpu.memory_space<vmem>> -> memref<64xf32, #tpu.memory_space<vmem>>
      %dma_start3A_85 = arith.constant 0 : i32
      %dma_start3A_86 = tpu.memref_slice %arg3[%squeeze3A_71, %dma_start3A_85] : memref<100001x64xf32, #tpu.memory_space<hbm>> -> memref<1x64xf32, #tpu.memory_space<hbm>>
      %dma_start3A_87 = tpu.memref_squeeze %dma_start3A_86 : memref<1x64xf32, #tpu.memory_space<hbm>> -> memref<64xf32, #tpu.memory_space<hbm>>
      tpu.enqueue_dma source(%dma_start3A_87 : memref<64xf32, #tpu.memory_space<hbm>>) target(%dma_start3A_84 : memref<64xf32, #tpu.memory_space<vmem>>) target_semaphore(%arg11 : memref<!tpu.dma_semaphore, #tpu.memory_space<semaphore_mem>>)
      %slice3A_88 = vector.extract_strided_slice %get3A_54 {offsets = [2], sizes = [1], strides = [1]} : vector<16xi32> to vector<1xi32>
      %squeeze3A_89 = vector.extract %slice3A_88[0] : i32 from vector<1xi32>
      %mul3A_90 = arith.constant 16 : i32
      %mul3A_91 = arith.muli %scan3A_49, %mul3A_90 : i32
      %add3A_92 = arith.constant 2 : i32
      %add3A_93 = arith.addi %mul3A_91, %add3A_92 : i32
      %dma_start3A_94 = arith.constant 0 : i32
      %dma_start3A_95 = tpu.memref_slice %arg8[%add3A_93, %dma_start3A_94] : memref<512x64xf32, #tpu.memory_space<vmem>> -> memref<1x64xf32, #tpu.memory_space<vmem>>
      %dma_start3A_96 = tpu.memref_squeeze %dma_start3A_95 : memref<1x64xf32, #tpu.memory_space<vmem>> -> memref<64xf32, #tpu.memory_space<vmem>>
      %dma_start3A_97 = arith.constant 0 : i32
      %dma_start3A_98 = tpu.memref_slice %arg3[%squeeze3A_89, %dma_start3A_97] : memref<100001x64xf32, #tpu.memory_space<hbm>> -> memref<1x64xf32, #tpu.memory_space<hbm>>
      %dma_start3A_99 = tpu.memref_squeeze %dma_start3A_98 : memref<1x64xf32, #tpu.memory_space<hbm>> -> memref<64xf32, #tpu.memory_space<hbm>>
      %dma_start3A_100 = arith.constant 0 : i32
      %dma_start3A_101 = tpu.memref_slice %arg8[%add3A_93, %dma_start3A_100] : memref<512x64xf32, #tpu.memory_space<vmem>> -> memref<1x64xf32, #tpu.memory_space<vmem>>
      %dma_start3A_102 = tpu.memref_squeeze %dma_start3A_101 : memref<1x64xf32, #tpu.memory_space<vmem>> -> memref<64xf32, #tpu.memory_space<vmem>>
      %dma_start3A_103 = arith.constant 0 : i32
      %dma_start3A_104 = tpu.memref_slice %arg3[%squeeze3A_89, %dma_start3A_103] : memref<100001x64xf32, #tpu.memory_space<hbm>> -> memref<1x64xf32, #tpu.memory_space<hbm>>
      %dma_start3A_105 = tpu.memref_squeeze %dma_start3A_104 : memref<1x64xf32, #tpu.memory_space<hbm>> -> memref<64xf32, #tpu.memory_space<hbm>>
      tpu.enqueue_dma source(%dma_start3A_105 : memref<64xf32, #tpu.memory_space<hbm>>) target(%dma_start3A_102 : memref<64xf32, #tpu.memory_space<vmem>>) target_semaphore(%arg11 : memref<!tpu.dma_semaphore, #tpu.memory_space<semaphore_mem>>)
      %slice3A_106 = vector.extract_strided_slice %get3A_54 {offsets = [3], sizes = [1], strides = [1]} : vector<16xi32> to vector<1xi32>
      %squeeze3A_107 = vector.extract %slice3A_106[0] : i32 from vector<1xi32>
      %mul3A_108 = arith.constant 16 : i32
      %mul3A_109 = arith.muli %scan3A_49, %mul3A_108 : i32
      %add3A_110 = arith.constant 3 : i32
      %add3A_111 = arith.addi %mul3A_109, %add3A_110 : i32
      %dma_start3A_112 = arith.constant 0 : i32
      %dma_start3A_113 = tpu.memref_slice %arg8[%add3A_111, %dma_start3A_112] : memref<512x64xf32, #tpu.memory_space<vmem>> -> memref<1x64xf32, #tpu.memory_space<vmem>>
      %dma_start3A_114 = tpu.memref_squeeze %dma_start3A_113 : memref<1x64xf32, #tpu.memory_space<vmem>> -> memref<64xf32, #tpu.memory_space<vmem>>
      %dma_start3A_115 = arith.constant 0 : i32
      %dma_start3A_116 = tpu.memref_slice %arg3[%squeeze3A_107, %dma_start3A_115] : memref<100001x64xf32, #tpu.memory_space<hbm>> -> memref<1x64xf32, #tpu.memory_space<hbm>>
      %dma_start3A_117 = tpu.memref_squeeze %dma_start3A_116 : memref<1x64xf32, #tpu.memory_space<hbm>> -> memref<64xf32, #tpu.memory_space<hbm>>
      %dma_start3A_118 = arith.constant 0 : i32
      %dma_start3A_119 = tpu.memref_slice %arg8[%add3A_111, %dma_start3A_118] : memref<512x64xf32, #tpu.memory_space<vmem>> -> memref<1x64xf32, #tpu.memory_space<vmem>>
      %dma_start3A_120 = tpu.memref_squeeze %dma_start3A_119 : memref<1x64xf32, #tpu.memory_space<vmem>> -> memref<64xf32, #tpu.memory_space<vmem>>
      %dma_start3A_121 = arith.constant 0 : i32
      %dma_start3A_122 = tpu.memref_slice %arg3[%squeeze3A_107, %dma_start3A_121] : memref<100001x64xf32, #tpu.memory_space<hbm>> -> memref<1x64xf32, #tpu.memory_space<hbm>>
      %dma_start3A_123 = tpu.memref_squeeze %dma_start3A_122 : memref<1x64xf32, #tpu.memory_space<hbm>> -> memref<64xf32, #tpu.memory_space<hbm>>
      tpu.enqueue_dma source(%dma_start3A_123 : memref<64xf32, #tpu.memory_space<hbm>>) target(%dma_start3A_120 : memref<64xf32, #tpu.memory_space<vmem>>) target_semaphore(%arg11 : memref<!tpu.dma_semaphore, #tpu.memory_space<semaphore_mem>>)
      %slice3A_124 = vector.extract_strided_slice %get3A_54 {offsets = [4], sizes = [1], strides = [1]} : vector<16xi32> to vector<1xi32>
      %squeeze3A_125 = vector.extract %slice3A_124[0] : i32 from vector<1xi32>
      %mul3A_126 = arith.constant 16 : i32
      %mul3A_127 = arith.muli %scan3A_49, %mul3A_126 : i32
      %add3A_128 = arith.constant 4 : i32
      %add3A_129 = arith.addi %mul3A_127, %add3A_128 : i32
      %dma_start3A_130 = arith.constant 0 : i32
      %dma_start3A_131 = tpu.memref_slice %arg8[%add3A_129, %dma_start3A_130] : memref<512x64xf32, #tpu.memory_space<vmem>> -> memref<1x64xf32, #tpu.memory_space<vmem>>
      %dma_start3A_132 = tpu.memref_squeeze %dma_start3A_131 : memref<1x64xf32, #tpu.memory_space<vmem>> -> memref<64xf32, #tpu.memory_space<vmem>>
      %dma_start3A_133 = arith.constant 0 : i32
      %dma_start3A_134 = tpu.memref_slice %arg3[%squeeze3A_125, %dma_start3A_133] : memref<100001x64xf32, #tpu.memory_space<hbm>> -> memref<1x64xf32, #tpu.memory_space<hbm>>
      %dma_start3A_135 = tpu.memref_squeeze %dma_start3A_134 : memref<1x64xf32, #tpu.memory_space<hbm>> -> memref<64xf32, #tpu.memory_space<hbm>>
      %dma_start3A_136 = arith.constant 0 : i32
      %dma_start3A_137 = tpu.memref_slice %arg8[%add3A_129, %dma_start3A_136] : memref<512x64xf32, #tpu.memory_space<vmem>> -> memref<1x64xf32, #tpu.memory_space<vmem>>
      %dma_start3A_138 = tpu.memref_squeeze %dma_start3A_137 : memref<1x64xf32, #tpu.memory_space<vmem>> -> memref<64xf32, #tpu.memory_space<vmem>>
      %dma_start3A_139 = arith.constant 0 : i32
      %dma_start3A_140 = tpu.memref_slice %arg3[%squeeze3A_125, %dma_start3A_139] : memref<100001x64xf32, #tpu.memory_space<hbm>> -> memref<1x64xf32, #tpu.memory_space<hbm>>
      %dma_start3A_141 = tpu.memref_squeeze %dma_start3A_140 : memref<1x64xf32, #tpu.memory_space<hbm>> -> memref<64xf32, #tpu.memory_space<hbm>>
      tpu.enqueue_dma source(%dma_start3A_141 : memref<64xf32, #tpu.memory_space<hbm>>) target(%dma_start3A_138 : memref<64xf32, #tpu.memory_space<vmem>>) target_semaphore(%arg11 : memref<!tpu.dma_semaphore, #tpu.memory_space<semaphore_mem>>)
      %slice3A_142 = vector.extract_strided_slice %get3A_54 {offsets = [5], sizes = [1], strides = [1]} : vector<16xi32> to vector<1xi32>
      %squeeze3A_143 = vector.extract %slice3A_142[0] : i32 from vector<1xi32>
      %mul3A_144 = arith.constant 16 : i32
      %mul3A_145 = arith.muli %scan3A_49, %mul3A_144 : i32
      %add3A_146 = arith.constant 5 : i32
      %add3A_147 = arith.addi %mul3A_145, %add3A_146 : i32
      %dma_start3A_148 = arith.constant 0 : i32
      %dma_start3A_149 = tpu.memref_slice %arg8[%add3A_147, %dma_start3A_148] : memref<512x64xf32, #tpu.memory_space<vmem>> -> memref<1x64xf32, #tpu.memory_space<vmem>>
      %dma_start3A_150 = tpu.memref_squeeze %dma_start3A_149 : memref<1x64xf32, #tpu.memory_space<vmem>> -> memref<64xf32, #tpu.memory_space<vmem>>
      %dma_start3A_151 = arith.constant 0 : i32
      %dma_start3A_152 = tpu.memref_slice %arg3[%squeeze3A_143, %dma_start3A_151] : memref<100001x64xf32, #tpu.memory_space<hbm>> -> memref<1x64xf32, #tpu.memory_space<hbm>>
      %dma_start3A_153 = tpu.memref_squeeze %dma_start3A_152 : memref<1x64xf32, #tpu.memory_space<hbm>> -> memref<64xf32, #tpu.memory_space<hbm>>
      %dma_start3A_154 = arith.constant 0 : i32
      %dma_start3A_155 = tpu.memref_slice %arg8[%add3A_147, %dma_start3A_154] : memref<512x64xf32, #tpu.memory_space<vmem>> -> memref<1x64xf32, #tpu.memory_space<vmem>>
      %dma_start3A_156 = tpu.memref_squeeze %dma_start3A_155 : memref<1x64xf32, #tpu.memory_space<vmem>> -> memref<64xf32, #tpu.memory_space<vmem>>
      %dma_start3A_157 = arith.constant 0 : i32
      %dma_start3A_158 = tpu.memref_slice %arg3[%squeeze3A_143, %dma_start3A_157] : memref<100001x64xf32, #tpu.memory_space<hbm>> -> memref<1x64xf32, #tpu.memory_space<hbm>>
      %dma_start3A_159 = tpu.memref_squeeze %dma_start3A_158 : memref<1x64xf32, #tpu.memory_space<hbm>> -> memref<64xf32, #tpu.memory_space<hbm>>
      tpu.enqueue_dma source(%dma_start3A_159 : memref<64xf32, #tpu.memory_space<hbm>>) target(%dma_start3A_156 : memref<64xf32, #tpu.memory_space<vmem>>) target_semaphore(%arg11 : memref<!tpu.dma_semaphore, #tpu.memory_space<semaphore_mem>>)
      %slice3A_160 = vector.extract_strided_slice %get3A_54 {offsets = [6], sizes = [1], strides = [1]} : vector<16xi32> to vector<1xi32>
      %squeeze3A_161 = vector.extract %slice3A_160[0] : i32 from vector<1xi32>
      %mul3A_162 = arith.constant 16 : i32
      %mul3A_163 = arith.muli %scan3A_49, %mul3A_162 : i32
      %add3A_164 = arith.constant 6 : i32
      %add3A_165 = arith.addi %mul3A_163, %add3A_164 : i32
      %dma_start3A_166 = arith.constant 0 : i32
      %dma_start3A_167 = tpu.memref_slice %arg8[%add3A_165, %dma_start3A_166] : memref<512x64xf32, #tpu.memory_space<vmem>> -> memref<1x64xf32, #tpu.memory_space<vmem>>
      %dma_start3A_168 = tpu.memref_squeeze %dma_start3A_167 : memref<1x64xf32, #tpu.memory_space<vmem>> -> memref<64xf32, #tpu.memory_space<vmem>>
      %dma_start3A_169 = arith.constant 0 : i32
      %dma_start3A_170 = tpu.memref_slice %arg3[%squeeze3A_161, %dma_start3A_169] : memref<100001x64xf32, #tpu.memory_space<hbm>> -> memref<1x64xf32, #tpu.memory_space<hbm>>
      %dma_start3A_171 = tpu.memref_squeeze %dma_start3A_170 : memref<1x64xf32, #tpu.memory_space<hbm>> -> memref<64xf32, #tpu.memory_space<hbm>>
      %dma_start3A_172 = arith.constant 0 : i32
      %dma_start3A_173 = tpu.memref_slice %arg8[%add3A_165, %dma_start3A_172] : memref<512x64xf32, #tpu.memory_space<vmem>> -> memref<1x64xf32, #tpu.memory_space<vmem>>
      %dma_start3A_174 = tpu.memref_squeeze %dma_start3A_173 : memref<1x64xf32, #tpu.memory_space<vmem>> -> memref<64xf32, #tpu.memory_space<vmem>>
      %dma_start3A_175 = arith.constant 0 : i32
      %dma_start3A_176 = tpu.memref_slice %arg3[%squeeze3A_161, %dma_start3A_175] : memref<100001x64xf32, #tpu.memory_space<hbm>> -> memref<1x64xf32, #tpu.memory_space<hbm>>
      %dma_start3A_177 = tpu.memref_squeeze %dma_start3A_176 : memref<1x64xf32, #tpu.memory_space<hbm>> -> memref<64xf32, #tpu.memory_space<hbm>>
      tpu.enqueue_dma source(%dma_start3A_177 : memref<64xf32, #tpu.memory_space<hbm>>) target(%dma_start3A_174 : memref<64xf32, #tpu.memory_space<vmem>>) target_semaphore(%arg11 : memref<!tpu.dma_semaphore, #tpu.memory_space<semaphore_mem>>)
      %slice3A_178 = vector.extract_strided_slice %get3A_54 {offsets = [7], sizes = [1], strides = [1]} : vector<16xi32> to vector<1xi32>
      %squeeze3A_179 = vector.extract %slice3A_178[0] : i32 from vector<1xi32>
      %mul3A_180 = arith.constant 16 : i32
      %mul3A_181 = arith.muli %scan3A_49, %mul3A_180 : i32
      %add3A_182 = arith.constant 7 : i32
      %add3A_183 = arith.addi %mul3A_181, %add3A_182 : i32
      %dma_start3A_184 = arith.constant 0 : i32
      %dma_start3A_185 = tpu.memref_slice %arg8[%add3A_183, %dma_start3A_184] : memref<512x64xf32, #tpu.memory_space<vmem>> -> memref<1x64xf32, #tpu.memory_space<vmem>>
      %dma_start3A_186 = tpu.memref_squeeze %dma_start3A_185 : memref<1x64xf32, #tpu.memory_space<vmem>> -> memref<64xf32, #tpu.memory_space<vmem>>
      %dma_start3A_187 = arith.constant 0 : i32
      %dma_start3A_188 = tpu.memref_slice %arg3[%squeeze3A_179, %dma_start3A_187] : memref<100001x64xf32, #tpu.memory_space<hbm>> -> memref<1x64xf32, #tpu.memory_space<hbm>>
      %dma_start3A_189 = tpu.memref_squeeze %dma_start3A_188 : memref<1x64xf32, #tpu.memory_space<hbm>> -> memref<64xf32, #tpu.memory_space<hbm>>
      %dma_start3A_190 = arith.constant 0 : i32
      %dma_start3A_191 = tpu.memref_slice %arg8[%add3A_183, %dma_start3A_190] : memref<512x64xf32, #tpu.memory_space<vmem>> -> memref<1x64xf32, #tpu.memory_space<vmem>>
      %dma_start3A_192 = tpu.memref_squeeze %dma_start3A_191 : memref<1x64xf32, #tpu.memory_space<vmem>> -> memref<64xf32, #tpu.memory_space<vmem>>
      %dma_start3A_193 = arith.constant 0 : i32
      %dma_start3A_194 = tpu.memref_slice %arg3[%squeeze3A_179, %dma_start3A_193] : memref<100001x64xf32, #tpu.memory_space<hbm>> -> memref<1x64xf32, #tpu.memory_space<hbm>>
      %dma_start3A_195 = tpu.memref_squeeze %dma_start3A_194 : memref<1x64xf32, #tpu.memory_space<hbm>> -> memref<64xf32, #tpu.memory_space<hbm>>
      tpu.enqueue_dma source(%dma_start3A_195 : memref<64xf32, #tpu.memory_space<hbm>>) target(%dma_start3A_192 : memref<64xf32, #tpu.memory_space<vmem>>) target_semaphore(%arg11 : memref<!tpu.dma_semaphore, #tpu.memory_space<semaphore_mem>>)
      %slice3A_196 = vector.extract_strided_slice %get3A_54 {offsets = [8], sizes = [1], strides = [1]} : vector<16xi32> to vector<1xi32>
      %squeeze3A_197 = vector.extract %slice3A_196[0] : i32 from vector<1xi32>
      %mul3A_198 = arith.constant 16 : i32
      %mul3A_199 = arith.muli %scan3A_49, %mul3A_198 : i32
      %add3A_200 = arith.constant 8 : i32
      %add3A_201 = arith.addi %mul3A_199, %add3A_200 : i32
      %dma_start3A_202 = arith.constant 0 : i32
      %dma_start3A_203 = tpu.memref_slice %arg8[%add3A_201, %dma_start3A_202] : memref<512x64xf32, #tpu.memory_space<vmem>> -> memref<1x64xf32, #tpu.memory_space<vmem>>
      %dma_start3A_204 = tpu.memref_squeeze %dma_start3A_203 : memref<1x64xf32, #tpu.memory_space<vmem>> -> memref<64xf32, #tpu.memory_space<vmem>>
      %dma_start3A_205 = arith.constant 0 : i32
      %dma_start3A_206 = tpu.memref_slice %arg3[%squeeze3A_197, %dma_start3A_205] : memref<100001x64xf32, #tpu.memory_space<hbm>> -> memref<1x64xf32, #tpu.memory_space<hbm>>
      %dma_start3A_207 = tpu.memref_squeeze %dma_start3A_206 : memref<1x64xf32, #tpu.memory_space<hbm>> -> memref<64xf32, #tpu.memory_space<hbm>>
      %dma_start3A_208 = arith.constant 0 : i32
      %dma_start3A_209 = tpu.memref_slice %arg8[%add3A_201, %dma_start3A_208] : memref<512x64xf32, #tpu.memory_space<vmem>> -> memref<1x64xf32, #tpu.memory_space<vmem>>
      %dma_start3A_210 = tpu.memref_squeeze %dma_start3A_209 : memref<1x64xf32, #tpu.memory_space<vmem>> -> memref<64xf32, #tpu.memory_space<vmem>>
      %dma_start3A_211 = arith.constant 0 : i32
      %dma_start3A_212 = tpu.memref_slice %arg3[%squeeze3A_197, %dma_start3A_211] : memref<100001x64xf32, #tpu.memory_space<hbm>> -> memref<1x64xf32, #tpu.memory_space<hbm>>
      %dma_start3A_213 = tpu.memref_squeeze %dma_start3A_212 : memref<1x64xf32, #tpu.memory_space<hbm>> -> memref<64xf32, #tpu.memory_space<hbm>>
      tpu.enqueue_dma source(%dma_start3A_213 : memref<64xf32, #tpu.memory_space<hbm>>) target(%dma_start3A_210 : memref<64xf32, #tpu.memory_space<vmem>>) target_semaphore(%arg11 : memref<!tpu.dma_semaphore, #tpu.memory_space<semaphore_mem>>)
      %slice3A_214 = vector.extract_strided_slice %get3A_54 {offsets = [9], sizes = [1], strides = [1]} : vector<16xi32> to vector<1xi32>
      %squeeze3A_215 = vector.extract %slice3A_214[0] : i32 from vector<1xi32>
      %mul3A_216 = arith.constant 16 : i32
      %mul3A_217 = arith.muli %scan3A_49, %mul3A_216 : i32
      %add3A_218 = arith.constant 9 : i32
      %add3A_219 = arith.addi %mul3A_217, %add3A_218 : i32
      %dma_start3A_220 = arith.constant 0 : i32
      %dma_start3A_221 = tpu.memref_slice %arg8[%add3A_219, %dma_start3A_220] : memref<512x64xf32, #tpu.memory_space<vmem>> -> memref<1x64xf32, #tpu.memory_space<vmem>>
      %dma_start3A_222 = tpu.memref_squeeze %dma_start3A_221 : memref<1x64xf32, #tpu.memory_space<vmem>> -> memref<64xf32, #tpu.memory_space<vmem>>
      %dma_start3A_223 = arith.constant 0 : i32
      %dma_start3A_224 = tpu.memref_slice %arg3[%squeeze3A_215, %dma_start3A_223] : memref<100001x64xf32, #tpu.memory_space<hbm>> -> memref<1x64xf32, #tpu.memory_space<hbm>>
      %dma_start3A_225 = tpu.memref_squeeze %dma_start3A_224 : memref<1x64xf32, #tpu.memory_space<hbm>> -> memref<64xf32, #tpu.memory_space<hbm>>
      %dma_start3A_226 = arith.constant 0 : i32
      %dma_start3A_227 = tpu.memref_slice %arg8[%add3A_219, %dma_start3A_226] : memref<512x64xf32, #tpu.memory_space<vmem>> -> memref<1x64xf32, #tpu.memory_space<vmem>>
      %dma_start3A_228 = tpu.memref_squeeze %dma_start3A_227 : memref<1x64xf32, #tpu.memory_space<vmem>> -> memref<64xf32, #tpu.memory_space<vmem>>
      %dma_start3A_229 = arith.constant 0 : i32
      %dma_start3A_230 = tpu.memref_slice %arg3[%squeeze3A_215, %dma_start3A_229] : memref<100001x64xf32, #tpu.memory_space<hbm>> -> memref<1x64xf32, #tpu.memory_space<hbm>>
      %dma_start3A_231 = tpu.memref_squeeze %dma_start3A_230 : memref<1x64xf32, #tpu.memory_space<hbm>> -> memref<64xf32, #tpu.memory_space<hbm>>
      tpu.enqueue_dma source(%dma_start3A_231 : memref<64xf32, #tpu.memory_space<hbm>>) target(%dma_start3A_228 : memref<64xf32, #tpu.memory_space<vmem>>) target_semaphore(%arg11 : memref<!tpu.dma_semaphore, #tpu.memory_space<semaphore_mem>>)
      %slice3A_232 = vector.extract_strided_slice %get3A_54 {offsets = [10], sizes = [1], strides = [1]} : vector<16xi32> to vector<1xi32>
      %squeeze3A_233 = vector.extract %slice3A_232[0] : i32 from vector<1xi32>
      %mul3A_234 = arith.constant 16 : i32
      %mul3A_235 = arith.muli %scan3A_49, %mul3A_234 : i32
      %add3A_236 = arith.constant 10 : i32
      %add3A_237 = arith.addi %mul3A_235, %add3A_236 : i32
      %dma_start3A_238 = arith.constant 0 : i32
      %dma_start3A_239 = tpu.memref_slice %arg8[%add3A_237, %dma_start3A_238] : memref<512x64xf32, #tpu.memory_space<vmem>> -> memref<1x64xf32, #tpu.memory_space<vmem>>
      %dma_start3A_240 = tpu.memref_squeeze %dma_start3A_239 : memref<1x64xf32, #tpu.memory_space<vmem>> -> memref<64xf32, #tpu.memory_space<vmem>>
      %dma_start3A_241 = arith.constant 0 : i32
      %dma_start3A_242 = tpu.memref_slice %arg3[%squeeze3A_233, %dma_start3A_241] : memref<100001x64xf32, #tpu.memory_space<hbm>> -> memref<1x64xf32, #tpu.memory_space<hbm>>
      %dma_start3A_243 = tpu.memref_squeeze %dma_start3A_242 : memref<1x64xf32, #tpu.memory_space<hbm>> -> memref<64xf32, #tpu.memory_space<hbm>>
      %dma_start3A_244 = arith.constant 0 : i32
      %dma_start3A_245 = tpu.memref_slice %arg8[%add3A_237, %dma_start3A_244] : memref<512x64xf32, #tpu.memory_space<vmem>> -> memref<1x64xf32, #tpu.memory_space<vmem>>
      %dma_start3A_246 = tpu.memref_squeeze %dma_start3A_245 : memref<1x64xf32, #tpu.memory_space<vmem>> -> memref<64xf32, #tpu.memory_space<vmem>>
      %dma_start3A_247 = arith.constant 0 : i32
      %dma_start3A_248 = tpu.memref_slice %arg3[%squeeze3A_233, %dma_start3A_247] : memref<100001x64xf32, #tpu.memory_space<hbm>> -> memref<1x64xf32, #tpu.memory_space<hbm>>
      %dma_start3A_249 = tpu.memref_squeeze %dma_start3A_248 : memref<1x64xf32, #tpu.memory_space<hbm>> -> memref<64xf32, #tpu.memory_space<hbm>>
      tpu.enqueue_dma source(%dma_start3A_249 : memref<64xf32, #tpu.memory_space<hbm>>) target(%dma_start3A_246 : memref<64xf32, #tpu.memory_space<vmem>>) target_semaphore(%arg11 : memref<!tpu.dma_semaphore, #tpu.memory_space<semaphore_mem>>)
      %slice3A_250 = vector.extract_strided_slice %get3A_54 {offsets = [11], sizes = [1], strides = [1]} : vector<16xi32> to vector<1xi32>
      %squeeze3A_251 = vector.extract %slice3A_250[0] : i32 from vector<1xi32>
      %mul3A_252 = arith.constant 16 : i32
      %mul3A_253 = arith.muli %scan3A_49, %mul3A_252 : i32
      %add3A_254 = arith.constant 11 : i32
      %add3A_255 = arith.addi %mul3A_253, %add3A_254 : i32
      %dma_start3A_256 = arith.constant 0 : i32
      %dma_start3A_257 = tpu.memref_slice %arg8[%add3A_255, %dma_start3A_256] : memref<512x64xf32, #tpu.memory_space<vmem>> -> memref<1x64xf32, #tpu.memory_space<vmem>>
      %dma_start3A_258 = tpu.memref_squeeze %dma_start3A_257 : memref<1x64xf32, #tpu.memory_space<vmem>> -> memref<64xf32, #tpu.memory_space<vmem>>
      %dma_start3A_259 = arith.constant 0 : i32
      %dma_start3A_260 = tpu.memref_slice %arg3[%squeeze3A_251, %dma_start3A_259] : memref<100001x64xf32, #tpu.memory_space<hbm>> -> memref<1x64xf32, #tpu.memory_space<hbm>>
      %dma_start3A_261 = tpu.memref_squeeze %dma_start3A_260 : memref<1x64xf32, #tpu.memory_space<hbm>> -> memref<64xf32, #tpu.memory_space<hbm>>
      %dma_start3A_262 = arith.constant 0 : i32
      %dma_start3A_263 = tpu.memref_slice %arg8[%add3A_255, %dma_start3A_262] : memref<512x64xf32, #tpu.memory_space<vmem>> -> memref<1x64xf32, #tpu.memory_space<vmem>>
      %dma_start3A_264 = tpu.memref_squeeze %dma_start3A_263 : memref<1x64xf32, #tpu.memory_space<vmem>> -> memref<64xf32, #tpu.memory_space<vmem>>
      %dma_start3A_265 = arith.constant 0 : i32
      %dma_start3A_266 = tpu.memref_slice %arg3[%squeeze3A_251, %dma_start3A_265] : memref<100001x64xf32, #tpu.memory_space<hbm>> -> memref<1x64xf32, #tpu.memory_space<hbm>>
      %dma_start3A_267 = tpu.memref_squeeze %dma_start3A_266 : memref<1x64xf32, #tpu.memory_space<hbm>> -> memref<64xf32, #tpu.memory_space<hbm>>
      tpu.enqueue_dma source(%dma_start3A_267 : memref<64xf32, #tpu.memory_space<hbm>>) target(%dma_start3A_264 : memref<64xf32, #tpu.memory_space<vmem>>) target_semaphore(%arg11 : memref<!tpu.dma_semaphore, #tpu.memory_space<semaphore_mem>>)
      %slice3A_268 = vector.extract_strided_slice %get3A_54 {offsets = [12], sizes = [1], strides = [1]} : vector<16xi32> to vector<1xi32>
      %squeeze3A_269 = vector.extract %slice3A_268[0] : i32 from vector<1xi32>
      %mul3A_270 = arith.constant 16 : i32
      %mul3A_271 = arith.muli %scan3A_49, %mul3A_270 : i32
      %add3A_272 = arith.constant 12 : i32
      %add3A_273 = arith.addi %mul3A_271, %add3A_272 : i32
      %dma_start3A_274 = arith.constant 0 : i32
      %dma_start3A_275 = tpu.memref_slice %arg8[%add3A_273, %dma_start3A_274] : memref<512x64xf32, #tpu.memory_space<vmem>> -> memref<1x64xf32, #tpu.memory_space<vmem>>
      %dma_start3A_276 = tpu.memref_squeeze %dma_start3A_275 : memref<1x64xf32, #tpu.memory_space<vmem>> -> memref<64xf32, #tpu.memory_space<vmem>>
      %dma_start3A_277 = arith.constant 0 : i32
      %dma_start3A_278 = tpu.memref_slice %arg3[%squeeze3A_269, %dma_start3A_277] : memref<100001x64xf32, #tpu.memory_space<hbm>> -> memref<1x64xf32, #tpu.memory_space<hbm>>
      %dma_start3A_279 = tpu.memref_squeeze %dma_start3A_278 : memref<1x64xf32, #tpu.memory_space<hbm>> -> memref<64xf32, #tpu.memory_space<hbm>>
      %dma_start3A_280 = arith.constant 0 : i32
      %dma_start3A_281 = tpu.memref_slice %arg8[%add3A_273, %dma_start3A_280] : memref<512x64xf32, #tpu.memory_space<vmem>> -> memref<1x64xf32, #tpu.memory_space<vmem>>
      %dma_start3A_282 = tpu.memref_squeeze %dma_start3A_281 : memref<1x64xf32, #tpu.memory_space<vmem>> -> memref<64xf32, #tpu.memory_space<vmem>>
      %dma_start3A_283 = arith.constant 0 : i32
      %dma_start3A_284 = tpu.memref_slice %arg3[%squeeze3A_269, %dma_start3A_283] : memref<100001x64xf32, #tpu.memory_space<hbm>> -> memref<1x64xf32, #tpu.memory_space<hbm>>
      %dma_start3A_285 = tpu.memref_squeeze %dma_start3A_284 : memref<1x64xf32, #tpu.memory_space<hbm>> -> memref<64xf32, #tpu.memory_space<hbm>>
      tpu.enqueue_dma source(%dma_start3A_285 : memref<64xf32, #tpu.memory_space<hbm>>) target(%dma_start3A_282 : memref<64xf32, #tpu.memory_space<vmem>>) target_semaphore(%arg11 : memref<!tpu.dma_semaphore, #tpu.memory_space<semaphore_mem>>)
      %slice3A_286 = vector.extract_strided_slice %get3A_54 {offsets = [13], sizes = [1], strides = [1]} : vector<16xi32> to vector<1xi32>
      %squeeze3A_287 = vector.extract %slice3A_286[0] : i32 from vector<1xi32>
      %mul3A_288 = arith.constant 16 : i32
      %mul3A_289 = arith.muli %scan3A_49, %mul3A_288 : i32
      %add3A_290 = arith.constant 13 : i32
      %add3A_291 = arith.addi %mul3A_289, %add3A_290 : i32
      %dma_start3A_292 = arith.constant 0 : i32
      %dma_start3A_293 = tpu.memref_slice %arg8[%add3A_291, %dma_start3A_292] : memref<512x64xf32, #tpu.memory_space<vmem>> -> memref<1x64xf32, #tpu.memory_space<vmem>>
      %dma_start3A_294 = tpu.memref_squeeze %dma_start3A_293 : memref<1x64xf32, #tpu.memory_space<vmem>> -> memref<64xf32, #tpu.memory_space<vmem>>
      %dma_start3A_295 = arith.constant 0 : i32
      %dma_start3A_296 = tpu.memref_slice %arg3[%squeeze3A_287, %dma_start3A_295] : memref<100001x64xf32, #tpu.memory_space<hbm>> -> memref<1x64xf32, #tpu.memory_space<hbm>>
      %dma_start3A_297 = tpu.memref_squeeze %dma_start3A_296 : memref<1x64xf32, #tpu.memory_space<hbm>> -> memref<64xf32, #tpu.memory_space<hbm>>
      %dma_start3A_298 = arith.constant 0 : i32
      %dma_start3A_299 = tpu.memref_slice %arg8[%add3A_291, %dma_start3A_298] : memref<512x64xf32, #tpu.memory_space<vmem>> -> memref<1x64xf32, #tpu.memory_space<vmem>>
      %dma_start3A_300 = tpu.memref_squeeze %dma_start3A_299 : memref<1x64xf32, #tpu.memory_space<vmem>> -> memref<64xf32, #tpu.memory_space<vmem>>
      %dma_start3A_301 = arith.constant 0 : i32
      %dma_start3A_302 = tpu.memref_slice %arg3[%squeeze3A_287, %dma_start3A_301] : memref<100001x64xf32, #tpu.memory_space<hbm>> -> memref<1x64xf32, #tpu.memory_space<hbm>>
      %dma_start3A_303 = tpu.memref_squeeze %dma_start3A_302 : memref<1x64xf32, #tpu.memory_space<hbm>> -> memref<64xf32, #tpu.memory_space<hbm>>
      tpu.enqueue_dma source(%dma_start3A_303 : memref<64xf32, #tpu.memory_space<hbm>>) target(%dma_start3A_300 : memref<64xf32, #tpu.memory_space<vmem>>) target_semaphore(%arg11 : memref<!tpu.dma_semaphore, #tpu.memory_space<semaphore_mem>>)
      %slice3A_304 = vector.extract_strided_slice %get3A_54 {offsets = [14], sizes = [1], strides = [1]} : vector<16xi32> to vector<1xi32>
      %squeeze3A_305 = vector.extract %slice3A_304[0] : i32 from vector<1xi32>
      %mul3A_306 = arith.constant 16 : i32
      %mul3A_307 = arith.muli %scan3A_49, %mul3A_306 : i32
      %add3A_308 = arith.constant 14 : i32
      %add3A_309 = arith.addi %mul3A_307, %add3A_308 : i32
      %dma_start3A_310 = arith.constant 0 : i32
      %dma_start3A_311 = tpu.memref_slice %arg8[%add3A_309, %dma_start3A_310] : memref<512x64xf32, #tpu.memory_space<vmem>> -> memref<1x64xf32, #tpu.memory_space<vmem>>
      %dma_start3A_312 = tpu.memref_squeeze %dma_start3A_311 : memref<1x64xf32, #tpu.memory_space<vmem>> -> memref<64xf32, #tpu.memory_space<vmem>>
      %dma_start3A_313 = arith.constant 0 : i32
      %dma_start3A_314 = tpu.memref_slice %arg3[%squeeze3A_305, %dma_start3A_313] : memref<100001x64xf32, #tpu.memory_space<hbm>> -> memref<1x64xf32, #tpu.memory_space<hbm>>
      %dma_start3A_315 = tpu.memref_squeeze %dma_start3A_314 : memref<1x64xf32, #tpu.memory_space<hbm>> -> memref<64xf32, #tpu.memory_space<hbm>>
      %dma_start3A_316 = arith.constant 0 : i32
      %dma_start3A_317 = tpu.memref_slice %arg8[%add3A_309, %dma_start3A_316] : memref<512x64xf32, #tpu.memory_space<vmem>> -> memref<1x64xf32, #tpu.memory_space<vmem>>
      %dma_start3A_318 = tpu.memref_squeeze %dma_start3A_317 : memref<1x64xf32, #tpu.memory_space<vmem>> -> memref<64xf32, #tpu.memory_space<vmem>>
      %dma_start3A_319 = arith.constant 0 : i32
      %dma_start3A_320 = tpu.memref_slice %arg3[%squeeze3A_305, %dma_start3A_319] : memref<100001x64xf32, #tpu.memory_space<hbm>> -> memref<1x64xf32, #tpu.memory_space<hbm>>
      %dma_start3A_321 = tpu.memref_squeeze %dma_start3A_320 : memref<1x64xf32, #tpu.memory_space<hbm>> -> memref<64xf32, #tpu.memory_space<hbm>>
      tpu.enqueue_dma source(%dma_start3A_321 : memref<64xf32, #tpu.memory_space<hbm>>) target(%dma_start3A_318 : memref<64xf32, #tpu.memory_space<vmem>>) target_semaphore(%arg11 : memref<!tpu.dma_semaphore, #tpu.memory_space<semaphore_mem>>)
      %slice3A_322 = vector.extract_strided_slice %get3A_54 {offsets = [15], sizes = [1], strides = [1]} : vector<16xi32> to vector<1xi32>
      %squeeze3A_323 = vector.extract %slice3A_322[0] : i32 from vector<1xi32>
      %mul3A_324 = arith.constant 16 : i32
      %mul3A_325 = arith.muli %scan3A_49, %mul3A_324 : i32
      %add3A_326 = arith.constant 15 : i32
      %add3A_327 = arith.addi %mul3A_325, %add3A_326 : i32
      %dma_start3A_328 = arith.constant 0 : i32
      %dma_start3A_329 = tpu.memref_slice %arg8[%add3A_327, %dma_start3A_328] : memref<512x64xf32, #tpu.memory_space<vmem>> -> memref<1x64xf32, #tpu.memory_space<vmem>>
      %dma_start3A_330 = tpu.memref_squeeze %dma_start3A_329 : memref<1x64xf32, #tpu.memory_space<vmem>> -> memref<64xf32, #tpu.memory_space<vmem>>
      %dma_start3A_331 = arith.constant 0 : i32
      %dma_start3A_332 = tpu.memref_slice %arg3[%squeeze3A_323, %dma_start3A_331] : memref<100001x64xf32, #tpu.memory_space<hbm>> -> memref<1x64xf32, #tpu.memory_space<hbm>>
      %dma_start3A_333 = tpu.memref_squeeze %dma_start3A_332 : memref<1x64xf32, #tpu.memory_space<hbm>> -> memref<64xf32, #tpu.memory_space<hbm>>
      %dma_start3A_334 = arith.constant 0 : i32
      %dma_start3A_335 = tpu.memref_slice %arg8[%add3A_327, %dma_start3A_334] : memref<512x64xf32, #tpu.memory_space<vmem>> -> memref<1x64xf32, #tpu.memory_space<vmem>>
      %dma_start3A_336 = tpu.memref_squeeze %dma_start3A_335 : memref<1x64xf32, #tpu.memory_space<vmem>> -> memref<64xf32, #tpu.memory_space<vmem>>
      %dma_start3A_337 = arith.constant 0 : i32
      %dma_start3A_338 = tpu.memref_slice %arg3[%squeeze3A_323, %dma_start3A_337] : memref<100001x64xf32, #tpu.memory_space<hbm>> -> memref<1x64xf32, #tpu.memory_space<hbm>>
      %dma_start3A_339 = tpu.memref_squeeze %dma_start3A_338 : memref<1x64xf32, #tpu.memory_space<hbm>> -> memref<64xf32, #tpu.memory_space<hbm>>
      tpu.enqueue_dma source(%dma_start3A_339 : memref<64xf32, #tpu.memory_space<hbm>>) target(%dma_start3A_336 : memref<64xf32, #tpu.memory_space<vmem>>) target_semaphore(%arg11 : memref<!tpu.dma_semaphore, #tpu.memory_space<semaphore_mem>>)
    }
    %scan3A_7 = arith.constant 32 : i32
    %dma_wait3A = arith.constant 0 : i32
    %dma_wait3A_8 = arith.constant 0 : i32
    %dma_wait3A_9 = tpu.memref_slice %arg6[%dma_wait3A, %dma_wait3A_8] : memref<16384x64xf32, #tpu.memory_space<hbm>> -> memref<512x64xf32, #tpu.memory_space<hbm>>
    %dma_wait3A_10 = arith.constant 0 : i32
    %dma_wait3A_11 = arith.constant 0 : i32
    %dma_wait3A_12 = tpu.memref_slice %arg6[%dma_wait3A_10, %dma_wait3A_11] : memref<16384x64xf32, #tpu.memory_space<hbm>> -> memref<512x64xf32, #tpu.memory_space<hbm>>
    tpu.wait_dma2 semaphore(%arg11 : memref<!tpu.dma_semaphore, #tpu.memory_space<semaphore_mem>>) src(%dma_wait3A_12 : memref<512x64xf32, #tpu.memory_space<hbm>>) dst(%arg8 : memref<512x64xf32, #tpu.memory_space<vmem>>)
    %get3A = arith.constant 0 : index
    %get3A_13 = tpu.vector_load %arg9[%get3A] {strides = array<i32>} : memref<64xf32, #tpu.memory_space<vmem>>, vector<16xf32>,
    %get3A_14 = vector.shape_cast %get3A_13 : vector<16xf32> to vector<16xf32>
    %get3A_15 = arith.constant 16 : index
    %get3A_16 = tpu.vector_load %arg9[%get3A_15] {strides = array<i32>} : memref<64xf32, #tpu.memory_space<vmem>>, vector<16xf32>,
    %get3A_17 = vector.shape_cast %get3A_16 : vector<16xf32> to vector<16xf32>
    %get3A_18 = arith.constant 32 : index
    %get3A_19 = tpu.vector_load %arg9[%get3A_18] {strides = array<i32>} : memref<64xf32, #tpu.memory_space<vmem>>, vector<16xf32>,
    %get3A_20 = vector.shape_cast %get3A_19 : vector<16xf32> to vector<16xf32>
    %get3A_21 = arith.constant 48 : index
    %get3A_22 = tpu.vector_load %arg9[%get3A_21] {strides = array<i32>} : memref<64xf32, #tpu.memory_space<vmem>>, vector<16xf32>,
    %get3A_23 = vector.shape_cast %get3A_22 : vector<16xf32> to vector<16xf32>
    %get3A_24 = arith.constant 0 : index
    %get3A_25 = tpu.vector_load %arg10[%get3A_24] {strides = array<i32>} : memref<64xf32, #tpu.memory_space<vmem>>, vector<16xf32>,
    %get3A_26 = vector.shape_cast %get3A_25 : vector<16xf32> to vector<16xf32>
    %get3A_27 = arith.constant 16 : index
    %get3A_28 = tpu.vector_load %arg10[%get3A_27] {strides = array<i32>} : memref<64xf32, #tpu.memory_space<vmem>>, vector<16xf32>,
    %get3A_29 = vector.shape_cast %get3A_28 : vector<16xf32> to vector<16xf32>
    %get3A_30 = arith.constant 32 : index
    %get3A_31 = tpu.vector_load %arg10[%get3A_30] {strides = array<i32>} : memref<64xf32, #tpu.memory_space<vmem>>, vector<16xf32>,
    %get3A_32 = vector.shape_cast %get3A_31 : vector<16xf32> to vector<16xf32>
    %get3A_33 = arith.constant 48 : index
    %get3A_34 = tpu.vector_load %arg10[%get3A_33] {strides = array<i32>} : memref<64xf32, #tpu.memory_space<vmem>>, vector<16xf32>,
    %get3A_35 = vector.shape_cast %get3A_34 : vector<16xf32> to vector<16xf32>
    %iota3A = tpu.iota {dimensions = array<i32: 0>} : vector<16xi32>
    %xor3A = arith.constant 1 : i32
    %xor3A_36 = vector.broadcast %xor3A : i32 to vector<16xi32>
    %xor3A_37 = arith.xori %iota3A, %xor3A_36 : vector<16xi32>
    %xor3A_38 = arith.constant 2 : i32
    %xor3A_39 = vector.broadcast %xor3A_38 : i32 to vector<16xi32>
    %xor3A_40 = arith.xori %iota3A, %xor3A_39 : vector<16xi32>
    %xor3A_41 = arith.constant 4 : i32
    %xor3A_42 = vector.broadcast %xor3A_41 : i32 to vector<16xi32>
    %xor3A_43 = arith.xori %iota3A, %xor3A_42 : vector<16xi32>
    %xor3A_44 = arith.constant 8 : i32
    %xor3A_45 = vector.broadcast %xor3A_44 : i32 to vector<16xi32>
    %xor3A_46 = arith.xori %iota3A, %xor3A_45 : vector<16xi32>
    %parallel_loop3A = arith.constant 0 : i32
    %parallel_loop3A_47 = arith.constant 512 : i32
    %parallel_loop3A_48 = arith.constant 1 : i32
    scf.for %parallel_loop3A_49 = %parallel_loop3A to %parallel_loop3A_47 step %parallel_loop3A_48  : i32 {
      %parallel_loop3A_50 = arith.index_cast %parallel_loop3A_49 : i32 to index
      %parallel_loop3A_51 = arith.constant 0 : index
      %parallel_loop3A_52 = tpu.vector_load %arg8[%parallel_loop3A_50, %parallel_loop3A_51] {strides = array<i32>} : memref<512x64xf32, #tpu.memory_space<vmem>>, vector<1x16xf32>,
      %parallel_loop3A_53 = vector.shape_cast %parallel_loop3A_52 : vector<1x16xf32> to vector<16xf32>
      %parallel_loop3A_54 = arith.index_cast %parallel_loop3A_49 : i32 to index
      %parallel_loop3A_55 = arith.constant 16 : index
      %parallel_loop3A_56 = tpu.vector_load %arg8[%parallel_loop3A_54, %parallel_loop3A_55] {strides = array<i32>} : memref<512x64xf32, #tpu.memory_space<vmem>>, vector<1x16xf32>,
      %parallel_loop3A_57 = vector.shape_cast %parallel_loop3A_56 : vector<1x16xf32> to vector<16xf32>
      %parallel_loop3A_58 = arith.index_cast %parallel_loop3A_49 : i32 to index
      %parallel_loop3A_59 = arith.constant 32 : index
      %parallel_loop3A_60 = tpu.vector_load %arg8[%parallel_loop3A_58, %parallel_loop3A_59] {strides = array<i32>} : memref<512x64xf32, #tpu.memory_space<vmem>>, vector<1x16xf32>,
      %parallel_loop3A_61 = vector.shape_cast %parallel_loop3A_60 : vector<1x16xf32> to vector<16xf32>
      %parallel_loop3A_62 = arith.index_cast %parallel_loop3A_49 : i32 to index
      %parallel_loop3A_63 = arith.constant 48 : index
      %parallel_loop3A_64 = tpu.vector_load %arg8[%parallel_loop3A_62, %parallel_loop3A_63] {strides = array<i32>} : memref<512x64xf32, #tpu.memory_space<vmem>>, vector<1x16xf32>,
      %parallel_loop3A_65 = vector.shape_cast %parallel_loop3A_64 : vector<1x16xf32> to vector<16xf32>
      %parallel_loop3A_66 = arith.addf %parallel_loop3A_53, %parallel_loop3A_57 : vector<16xf32>
      %parallel_loop3A_67 = arith.addf %parallel_loop3A_61, %parallel_loop3A_65 : vector<16xf32>
      %parallel_loop3A_68 = arith.addf %parallel_loop3A_66, %parallel_loop3A_67 : vector<16xf32>
      %parallel_loop3A_69 = arith.constant 0 : i32
      %parallel_loop3A_70 = vector.broadcast %parallel_loop3A_69 : i32 to vector<16xi32>
      %parallel_loop3A_71 = arith.cmpi slt, %xor3A_37, %parallel_loop3A_70 : vector<16xi32>
      %parallel_loop3A_72 = arith.constant 16 : i32
      %parallel_loop3A_73 = vector.broadcast %parallel_loop3A_72 : i32 to vector<16xi32>
      %parallel_loop3A_74 = arith.addi %xor3A_37, %parallel_loop3A_73 : vector<16xi32>
      %parallel_loop3A_75 = arith.select %parallel_loop3A_71, %parallel_loop3A_74, %xor3A_37 : vector<16xi1>, vector<16xi32>
      %parallel_loop3A_76 = vector.shape_cast %parallel_loop3A_75 : vector<16xi32> to vector<16x1xi32>
      %parallel_loop3A_77 = vector.shape_cast %parallel_loop3A_76 : vector<16x1xi32> to vector<16xi32>
      %parallel_loop3A_78 = tpu.dynamic_gather %parallel_loop3A_68[%parallel_loop3A_77] in [0] : vector<16xf32>, vector<16xi32> -> vector<16xf32>
      %parallel_loop3A_79 = arith.addf %parallel_loop3A_68, %parallel_loop3A_78 : vector<16xf32>
      %parallel_loop3A_80 = arith.constant 0 : i32
      %parallel_loop3A_81 = vector.broadcast %parallel_loop3A_80 : i32 to vector<16xi32>
      %parallel_loop3A_82 = arith.cmpi slt, %xor3A_40, %parallel_loop3A_81 : vector<16xi32>
      %parallel_loop3A_83 = arith.constant 16 : i32
      %parallel_loop3A_84 = vector.broadcast %parallel_loop3A_83 : i32 to vector<16xi32>
      %parallel_loop3A_85 = arith.addi %xor3A_40, %parallel_loop3A_84 : vector<16xi32>
      %parallel_loop3A_86 = arith.select %parallel_loop3A_82, %parallel_loop3A_85, %xor3A_40 : vector<16xi1>, vector<16xi32>
      %parallel_loop3A_87 = vector.shape_cast %parallel_loop3A_86 : vector<16xi32> to vector<16x1xi32>
      %parallel_loop3A_88 = vector.shape_cast %parallel_loop3A_87 : vector<16x1xi32> to vector<16xi32>
      %parallel_loop3A_89 = tpu.dynamic_gather %parallel_loop3A_79[%parallel_loop3A_88] in [0] : vector<16xf32>, vector<16xi32> -> vector<16xf32>
      %parallel_loop3A_90 = arith.addf %parallel_loop3A_79, %parallel_loop3A_89 : vector<16xf32>
      %parallel_loop3A_91 = arith.constant 0 : i32
      %parallel_loop3A_92 = vector.broadcast %parallel_loop3A_91 : i32 to vector<16xi32>
      %parallel_loop3A_93 = arith.cmpi slt, %xor3A_43, %parallel_loop3A_92 : vector<16xi32>
      %parallel_loop3A_94 = arith.constant 16 : i32
      %parallel_loop3A_95 = vector.broadcast %parallel_loop3A_94 : i32 to vector<16xi32>
      %parallel_loop3A_96 = arith.addi %xor3A_43, %parallel_loop3A_95 : vector<16xi32>
      %parallel_loop3A_97 = arith.select %parallel_loop3A_93, %parallel_loop3A_96, %xor3A_43 : vector<16xi1>, vector<16xi32>
      %parallel_loop3A_98 = vector.shape_cast %parallel_loop3A_97 : vector<16xi32> to vector<16x1xi32>
      %parallel_loop3A_99 = vector.shape_cast %parallel_loop3A_98 : vector<16x1xi32> to vector<16xi32>
      %parallel_loop3A_100 = tpu.dynamic_gather %parallel_loop3A_90[%parallel_loop3A_99] in [0] : vector<16xf32>, vector<16xi32> -> vector<16xf32>
      %parallel_loop3A_101 = arith.addf %parallel_loop3A_90, %parallel_loop3A_100 : vector<16xf32>
      %parallel_loop3A_102 = arith.constant 0 : i32
      %parallel_loop3A_103 = vector.broadcast %parallel_loop3A_102 : i32 to vector<16xi32>
      %parallel_loop3A_104 = arith.cmpi slt, %xor3A_46, %parallel_loop3A_103 : vector<16xi32>
      %parallel_loop3A_105 = arith.constant 16 : i32
      %parallel_loop3A_106 = vector.broadcast %parallel_loop3A_105 : i32 to vector<16xi32>
      %parallel_loop3A_107 = arith.addi %xor3A_46, %parallel_loop3A_106 : vector<16xi32>
      %parallel_loop3A_108 = arith.select %parallel_loop3A_104, %parallel_loop3A_107, %xor3A_46 : vector<16xi1>, vector<16xi32>
      %parallel_loop3A_109 = vector.shape_cast %parallel_loop3A_108 : vector<16xi32> to vector<16x1xi32>
      %parallel_loop3A_110 = vector.shape_cast %parallel_loop3A_109 : vector<16x1xi32> to vector<16xi32>
      %parallel_loop3A_111 = tpu.dynamic_gather %parallel_loop3A_101[%parallel_loop3A_110] in [0] : vector<16xf32>, vector<16xi32> -> vector<16xf32>
      %parallel_loop3A_112 = arith.addf %parallel_loop3A_101, %parallel_loop3A_111 : vector<16xf32>
      %parallel_loop3A_113 = arith.constant 1.562500e-02 : f32
      %parallel_loop3A_114 = vector.broadcast %parallel_loop3A_113 : f32 to vector<16xf32>
      %parallel_loop3A_115 = arith.mulf %parallel_loop3A_112, %parallel_loop3A_114 : vector<16xf32>
      %parallel_loop3A_116 = arith.subf %parallel_loop3A_53, %parallel_loop3A_115 : vector<16xf32>
      %parallel_loop3A_117 = arith.subf %parallel_loop3A_57, %parallel_loop3A_115 : vector<16xf32>
      %parallel_loop3A_118 = arith.subf %parallel_loop3A_61, %parallel_loop3A_115 : vector<16xf32>
      %parallel_loop3A_119 = arith.subf %parallel_loop3A_65, %parallel_loop3A_115 : vector<16xf32>
      %parallel_loop3A_120 = arith.mulf %parallel_loop3A_116, %parallel_loop3A_116 : vector<16xf32>
      %parallel_loop3A_121 = arith.mulf %parallel_loop3A_117, %parallel_loop3A_117 : vector<16xf32>
      %parallel_loop3A_122 = arith.addf %parallel_loop3A_120, %parallel_loop3A_121 : vector<16xf32>
      %parallel_loop3A_123 = arith.mulf %parallel_loop3A_118, %parallel_loop3A_118 : vector<16xf32>
      %parallel_loop3A_124 = arith.mulf %parallel_loop3A_119, %parallel_loop3A_119 : vector<16xf32>
      %parallel_loop3A_125 = arith.addf %parallel_loop3A_123, %parallel_loop3A_124 : vector<16xf32>
      %parallel_loop3A_126 = arith.addf %parallel_loop3A_122, %parallel_loop3A_125 : vector<16xf32>
      %parallel_loop3A_127 = arith.constant 0 : i32
      %parallel_loop3A_128 = vector.broadcast %parallel_loop3A_127 : i32 to vector<16xi32>
      %parallel_loop3A_129 = arith.cmpi slt, %xor3A_37, %parallel_loop3A_128 : vector<16xi32>
      %parallel_loop3A_130 = arith.constant 16 : i32
      %parallel_loop3A_131 = vector.broadcast %parallel_loop3A_130 : i32 to vector<16xi32>
      %parallel_loop3A_132 = arith.addi %xor3A_37, %parallel_loop3A_131 : vector<16xi32>
      %parallel_loop3A_133 = arith.select %parallel_loop3A_129, %parallel_loop3A_132, %xor3A_37 : vector<16xi1>, vector<16xi32>
      %parallel_loop3A_134 = vector.shape_cast %parallel_loop3A_133 : vector<16xi32> to vector<16x1xi32>
      %parallel_loop3A_135 = vector.shape_cast %parallel_loop3A_134 : vector<16x1xi32> to vector<16xi32>
      %parallel_loop3A_136 = tpu.dynamic_gather %parallel_loop3A_126[%parallel_loop3A_135] in [0] : vector<16xf32>, vector<16xi32> -> vector<16xf32>
      %parallel_loop3A_137 = arith.addf %parallel_loop3A_126, %parallel_loop3A_136 : vector<16xf32>
      %parallel_loop3A_138 = arith.constant 0 : i32
      %parallel_loop3A_139 = vector.broadcast %parallel_loop3A_138 : i32 to vector<16xi32>
      %parallel_loop3A_140 = arith.cmpi slt, %xor3A_40, %parallel_loop3A_139 : vector<16xi32>
      %parallel_loop3A_141 = arith.constant 16 : i32
      %parallel_loop3A_142 = vector.broadcast %parallel_loop3A_141 : i32 to vector<16xi32>
      %parallel_loop3A_143 = arith.addi %xor3A_40, %parallel_loop3A_142 : vector<16xi32>
      %parallel_loop3A_144 = arith.select %parallel_loop3A_140, %parallel_loop3A_143, %xor3A_40 : vector<16xi1>, vector<16xi32>
      %parallel_loop3A_145 = vector.shape_cast %parallel_loop3A_144 : vector<16xi32> to vector<16x1xi32>
      %parallel_loop3A_146 = vector.shape_cast %parallel_loop3A_145 : vector<16x1xi32> to vector<16xi32>
      %parallel_loop3A_147 = tpu.dynamic_gather %parallel_loop3A_137[%parallel_loop3A_146] in [0] : vector<16xf32>, vector<16xi32> -> vector<16xf32>
      %parallel_loop3A_148 = arith.addf %parallel_loop3A_137, %parallel_loop3A_147 : vector<16xf32>
      %parallel_loop3A_149 = arith.constant 0 : i32
      %parallel_loop3A_150 = vector.broadcast %parallel_loop3A_149 : i32 to vector<16xi32>
      %parallel_loop3A_151 = arith.cmpi slt, %xor3A_43, %parallel_loop3A_150 : vector<16xi32>
      %parallel_loop3A_152 = arith.constant 16 : i32
      %parallel_loop3A_153 = vector.broadcast %parallel_loop3A_152 : i32 to vector<16xi32>
      %parallel_loop3A_154 = arith.addi %xor3A_43, %parallel_loop3A_153 : vector<16xi32>
      %parallel_loop3A_155 = arith.select %parallel_loop3A_151, %parallel_loop3A_154, %xor3A_43 : vector<16xi1>, vector<16xi32>
      %parallel_loop3A_156 = vector.shape_cast %parallel_loop3A_155 : vector<16xi32> to vector<16x1xi32>
      %parallel_loop3A_157 = vector.shape_cast %parallel_loop3A_156 : vector<16x1xi32> to vector<16xi32>
      %parallel_loop3A_158 = tpu.dynamic_gather %parallel_loop3A_148[%parallel_loop3A_157] in [0] : vector<16xf32>, vector<16xi32> -> vector<16xf32>
      %parallel_loop3A_159 = arith.addf %parallel_loop3A_148, %parallel_loop3A_158 : vector<16xf32>
      %parallel_loop3A_160 = arith.constant 0 : i32
      %parallel_loop3A_161 = vector.broadcast %parallel_loop3A_160 : i32 to vector<16xi32>
      %parallel_loop3A_162 = arith.cmpi slt, %xor3A_46, %parallel_loop3A_161 : vector<16xi32>
      %parallel_loop3A_163 = arith.constant 16 : i32
      %parallel_loop3A_164 = vector.broadcast %parallel_loop3A_163 : i32 to vector<16xi32>
      %parallel_loop3A_165 = arith.addi %xor3A_46, %parallel_loop3A_164 : vector<16xi32>
      %parallel_loop3A_166 = arith.select %parallel_loop3A_162, %parallel_loop3A_165, %xor3A_46 : vector<16xi1>, vector<16xi32>
      %parallel_loop3A_167 = vector.shape_cast %parallel_loop3A_166 : vector<16xi32> to vector<16x1xi32>
      %parallel_loop3A_168 = vector.shape_cast %parallel_loop3A_167 : vector<16x1xi32> to vector<16xi32>
      %parallel_loop3A_169 = tpu.dynamic_gather %parallel_loop3A_159[%parallel_loop3A_168] in [0] : vector<16xf32>, vector<16xi32> -> vector<16xf32>
      %parallel_loop3A_170 = arith.addf %parallel_loop3A_159, %parallel_loop3A_169 : vector<16xf32>
      %parallel_loop3A_171 = arith.constant 1.562500e-02 : f32
      %parallel_loop3A_172 = vector.broadcast %parallel_loop3A_171 : f32 to vector<16xf32>
      %parallel_loop3A_173 = arith.mulf %parallel_loop3A_170, %parallel_loop3A_172 : vector<16xf32>
      %parallel_loop3A_174 = arith.constant 9.99999974E-6 : f32
      %parallel_loop3A_175 = vector.broadcast %parallel_loop3A_174 : f32 to vector<16xf32>
      %parallel_loop3A_176 = arith.addf %parallel_loop3A_173, %parallel_loop3A_175 : vector<16xf32>
      %parallel_loop3A_177 = tpu.bitcast %parallel_loop3A_176 : vector<16xf32> -> vector<16xi32>
      %parallel_loop3A_178 = arith.constant 1597463007 : i32
      %parallel_loop3A_179 = vector.broadcast %parallel_loop3A_178 : i32 to vector<16xi32>
      %parallel_loop3A_180 = arith.constant 1 : i32
      %parallel_loop3A_181 = vector.broadcast %parallel_loop3A_180 : i32 to vector<16xi32>
      %parallel_loop3A_182 = arith.shrsi %parallel_loop3A_177, %parallel_loop3A_181 : vector<16xi32>
      %parallel_loop3A_183 = arith.subi %parallel_loop3A_179, %parallel_loop3A_182 : vector<16xi32>
      %parallel_loop3A_184 = tpu.bitcast %parallel_loop3A_183 : vector<16xi32> -> vector<16xf32>
      %parallel_loop3A_185 = arith.constant -5.000000e-01 : f32
      %parallel_loop3A_186 = vector.broadcast %parallel_loop3A_185 : f32 to vector<16xf32>
      %parallel_loop3A_187 = arith.mulf %parallel_loop3A_176, %parallel_loop3A_186 : vector<16xf32>
      %parallel_loop3A_188 = arith.mulf %parallel_loop3A_184, %parallel_loop3A_184 : vector<16xf32>
      %parallel_loop3A_189 = arith.mulf %parallel_loop3A_188, %parallel_loop3A_187 : vector<16xf32>
      %parallel_loop3A_190 = arith.constant 1.500000e+00 : f32
      %parallel_loop3A_191 = vector.broadcast %parallel_loop3A_190 : f32 to vector<16xf32>
      %parallel_loop3A_192 = arith.addf %parallel_loop3A_189, %parallel_loop3A_191 : vector<16xf32>
      %parallel_loop3A_193 = arith.mulf %parallel_loop3A_184, %parallel_loop3A_192 : vector<16xf32>
      %parallel_loop3A_194 = arith.mulf %parallel_loop3A_193, %parallel_loop3A_193 : vector<16xf32>
      %parallel_loop3A_195 = arith.mulf %parallel_loop3A_194, %parallel_loop3A_187 : vector<16xf32>
      %parallel_loop3A_196 = arith.constant 1.500000e+00 : f32
      %parallel_loop3A_197 = vector.broadcast %parallel_loop3A_196 : f32 to vector<16xf32>
      %parallel_loop3A_198 = arith.addf %parallel_loop3A_195, %parallel_loop3A_197 : vector<16xf32>
      %parallel_loop3A_199 = arith.mulf %parallel_loop3A_193, %parallel_loop3A_198 : vector<16xf32>
      %parallel_loop3A_200 = arith.mulf %parallel_loop3A_199, %parallel_loop3A_199 : vector<16xf32>
      %parallel_loop3A_201 = arith.mulf %parallel_loop3A_200, %parallel_loop3A_187 : vector<16xf32>
      %parallel_loop3A_202 = arith.constant 1.500000e+00 : f32
      %parallel_loop3A_203 = vector.broadcast %parallel_loop3A_202 : f32 to vector<16xf32>
      %parallel_loop3A_204 = arith.addf %parallel_loop3A_201, %parallel_loop3A_203 : vector<16xf32>
      %parallel_loop3A_205 = arith.mulf %parallel_loop3A_199, %parallel_loop3A_204 : vector<16xf32>
      %parallel_loop3A_206 = arith.mulf %parallel_loop3A_116, %parallel_loop3A_205 : vector<16xf32>
      %parallel_loop3A_207 = arith.mulf %parallel_loop3A_206, %get3A_14 : vector<16xf32>
      %parallel_loop3A_208 = arith.addf %parallel_loop3A_207, %get3A_26 : vector<16xf32>
      %parallel_loop3A_209 = arith.index_cast %parallel_loop3A_49 : i32 to index
      %parallel_loop3A_210 = arith.constant 0 : index
      %parallel_loop3A_211 = tpu.vector_load %arg8[%parallel_loop3A_209, %parallel_loop3A_210] {strides = array<i32>} : memref<512x64xf32, #tpu.memory_space<vmem>>, vector<1x16xf32>,
      %parallel_loop3A_212 = vector.shape_cast %parallel_loop3A_211 : vector<1x16xf32> to vector<16xf32>
      %parallel_loop3A_213 = vector.shape_cast %parallel_loop3A_208 : vector<16xf32> to vector<1x16xf32>
      tpu.vector_store %arg8[%parallel_loop3A_209, %parallel_loop3A_210], %parallel_loop3A_213 {strides = array<i32>} : memref<512x64xf32, #tpu.memory_space<vmem>>, vector<1x16xf32>,
      %parallel_loop3A_214 = arith.mulf %parallel_loop3A_117, %parallel_loop3A_205 : vector<16xf32>
      %parallel_loop3A_215 = arith.mulf %parallel_loop3A_214, %get3A_17 : vector<16xf32>
      %parallel_loop3A_216 = arith.addf %parallel_loop3A_215, %get3A_29 : vector<16xf32>
      %parallel_loop3A_217 = arith.index_cast %parallel_loop3A_49 : i32 to index
      %parallel_loop3A_218 = arith.constant 16 : index
      %parallel_loop3A_219 = tpu.vector_load %arg8[%parallel_loop3A_217, %parallel_loop3A_218] {strides = array<i32>} : memref<512x64xf32, #tpu.memory_space<vmem>>, vector<1x16xf32>,
      %parallel_loop3A_220 = vector.shape_cast %parallel_loop3A_219 : vector<1x16xf32> to vector<16xf32>
      %parallel_loop3A_221 = vector.shape_cast %parallel_loop3A_216 : vector<16xf32> to vector<1x16xf32>
      tpu.vector_store %arg8[%parallel_loop3A_217, %parallel_loop3A_218], %parallel_loop3A_221 {strides = array<i32>} : memref<512x64xf32, #tpu.memory_space<vmem>>, vector<1x16xf32>,
      %parallel_loop3A_222 = arith.mulf %parallel_loop3A_118, %parallel_loop3A_205 : vector<16xf32>
      %parallel_loop3A_223 = arith.mulf %parallel_loop3A_222, %get3A_20 : vector<16xf32>
      %parallel_loop3A_224 = arith.addf %parallel_loop3A_223, %get3A_32 : vector<16xf32>
      %parallel_loop3A_225 = arith.index_cast %parallel_loop3A_49 : i32 to index
      %parallel_loop3A_226 = arith.constant 32 : index
      %parallel_loop3A_227 = tpu.vector_load %arg8[%parallel_loop3A_225, %parallel_loop3A_226] {strides = array<i32>} : memref<512x64xf32, #tpu.memory_space<vmem>>, vector<1x16xf32>,
      %parallel_loop3A_228 = vector.shape_cast %parallel_loop3A_227 : vector<1x16xf32> to vector<16xf32>
      %parallel_loop3A_229 = vector.shape_cast %parallel_loop3A_224 : vector<16xf32> to vector<1x16xf32>
      tpu.vector_store %arg8[%parallel_loop3A_225, %parallel_loop3A_226], %parallel_loop3A_229 {strides = array<i32>} : memref<512x64xf32, #tpu.memory_space<vmem>>, vector<1x16xf32>,
      %parallel_loop3A_230 = arith.mulf %parallel_loop3A_119, %parallel_loop3A_205 : vector<16xf32>
      %parallel_loop3A_231 = arith.mulf %parallel_loop3A_230, %get3A_23 : vector<16xf32>
      %parallel_loop3A_232 = arith.addf %parallel_loop3A_231, %get3A_35 : vector<16xf32>
      %parallel_loop3A_233 = arith.index_cast %parallel_loop3A_49 : i32 to index
      %parallel_loop3A_234 = arith.constant 48 : index
      %parallel_loop3A_235 = tpu.vector_load %arg8[%parallel_loop3A_233, %parallel_loop3A_234] {strides = array<i32>} : memref<512x64xf32, #tpu.memory_space<vmem>>, vector<1x16xf32>,
      %parallel_loop3A_236 = vector.shape_cast %parallel_loop3A_235 : vector<1x16xf32> to vector<16xf32>
      %parallel_loop3A_237 = vector.shape_cast %parallel_loop3A_232 : vector<16xf32> to vector<1x16xf32>
      tpu.vector_store %arg8[%parallel_loop3A_233, %parallel_loop3A_234], %parallel_loop3A_237 {strides = array<i32>} : memref<512x64xf32, #tpu.memory_space<vmem>>, vector<1x16xf32>,
    } {sc.loop_unroll_factor = 8 : i64, sc.parallel_access}
    "tpu.region"() ({
      %run_scoped3A = tpu.sem_alloc : memref<!tpu.dma_semaphore, #tpu.memory_space<semaphore_mem>>
      %dma_start3A = arith.constant 0 : i32
      %dma_start3A_49 = tpu.memref_slice %arg6[%mul3A_2, %dma_start3A] : memref<16384x64xf32, #tpu.memory_space<hbm>> -> memref<512x64xf32, #tpu.memory_space<hbm>>
      %dma_start3A_50 = arith.constant 0 : i32
      %dma_start3A_51 = tpu.memref_slice %arg6[%mul3A_2, %dma_start3A_50] : memref<16384x64xf32, #tpu.memory_space<hbm>> -> memref<512x64xf32, #tpu.memory_space<hbm>>
      tpu.enqueue_dma source(%arg8 : memref<512x64xf32, #tpu.memory_space<vmem>>) target(%dma_start3A_51 : memref<512x64xf32, #tpu.memory_space<hbm>>) target_semaphore(%run_scoped3A : memref<!tpu.dma_semaphore, #tpu.memory_space<semaphore_mem>>)
      %dma_wait3A_52 = arith.constant 0 : i32
      %dma_wait3A_53 = tpu.memref_slice %arg6[%mul3A_2, %dma_wait3A_52] : memref<16384x64xf32, #tpu.memory_space<hbm>> -> memref<512x64xf32, #tpu.memory_space<hbm>>
      %dma_wait3A_54 = arith.constant 0 : i32
      %dma_wait3A_55 = tpu.memref_slice %arg6[%mul3A_2, %dma_wait3A_54] : memref<16384x64xf32, #tpu.memory_space<hbm>> -> memref<512x64xf32, #tpu.memory_space<hbm>>
      tpu.wait_dma2 semaphore(%run_scoped3A : memref<!tpu.dma_semaphore, #tpu.memory_space<semaphore_mem>>) src(%arg8 : memref<512x64xf32, #tpu.memory_space<vmem>>) dst(%dma_wait3A_55 : memref<512x64xf32, #tpu.memory_space<hbm>>)
      tpu.yield
    }) : () -> ()
    return
  }
}

</mosaic_0001>

<sc_bundles>
// kernel: kernel.3.cloned.1.call-start
scs
__scs_entry_jumppad:
0x0: {  	(pc) =	sbr.rel $0x88, $3  }
0x1: {  	(tag) =	ssettag $0x0;
	lr =	simm.s32 $0x1  }
0x2: {  	[smem:$0x3F9D] =	sst lr;
	_ =	strace $0xD0000000  }
0x3: {  	_ = 	snop  }
0x4: {  	_ = 	snop  }
0x5: {  	_ = 	snop  }
0x6: {  	_ = 	snop  }
0x7: {  	_ = 	snop  }
__scs_overlays_trampoline_lowered:
0x8: {  	[smem:$0x3FAC] =	sst s0  }
0x9: {  	[smem:$0x3FAD] =	sst s1  }
0xa: {  	[smem:$0x3FAE] =	sst s2  }
0xb: {  	[smem:$0x3FAF] =	sst s3  }
0xc: {  	[smem:$0x3FB0] =	sst s4  }
0xd: {  	[smem:$0x3FB1] =	sst s5  }
0xe: {  	[smem:$0x3FB2] =	sst s6  }
0xf: {  	[smem:$0x3FB3] =	sst s7  }
0x10: {  	[smem:$0x3FB4] =	sst s8  }
0x11: {  	[smem:$0x3FB5] =	sst s9;
	s0 =	simm.s32 @!p0 $0x0  }
0x12: {  	s1 =	sld [smem:$0x3F9B];
	s0 =	simm.s32 @p0 $0x1  }
0x13: {  	[smem:$0x3FB6] =	sst s0;
	s0 =	simm.s32 @!p1 $0x0  }
0x14: {  	s2 =	sld [smem:$0x3F9A];
	s0 =	simm.s32 @p1 $0x1  }
0x15: {  	[smem:$0x3FB7] =	sst s0;
	s0 =	simm.s32 @!p2 $0x0  }
0x16: {  	s3 =	sld [smem:$0x3FDB];
	s0 =	simm.s32 @p2 $0x1  }
0x17: {  	s4 =	simm.s32 $0x1BF5;
	[smem:$0x3FB9] =	sst s0  }
0x18: {  	s0 =	sld [smem:$0x3F9C];
	_ =	swait.ge [sflag:s4], $0x0  }
0x19: {  	s7 =	sld [smem:$0x3F9D]  }
0x1a: {  	s8 =	sadd.s32 $0xFFFFE003, lr  }
0x1b: {  	s9 =	sadd.s32 $0xFFFFFEF7, lr;
	s5 =	simm.s32 $0xFFFFFFFF;
	p2 =	slt.u32 s8, $0xFFFFF086  }
0x1c: {  	p1 =	slt.u32 s9, $0xF7A;
	s5 =	simm.s32 @!p2 $0x0  }
0x1d: {  	s5 =	simm.s32 @p1 $0x1;
	p0 =	seq.s32 s7, s2  }
0x1e: {  	s7 =	smul.u32 @!p0 $0xF7A, s2;
	p2 =	seq.s32 @!p0 s5, $0x0  }
0x1f: {  	s9 =	smul.u32 $0xF7A, s1;
	s8 =	simm.s32 @!p0 $0x1BF5;
	p2 =	por !p2, p0  }
0x20: {  	[sflag:s8] =	ssyncset.s32 @!p0 $0xFFFFF086;
	s6 =	sadd.s32 @!p0 s3, s7;
	s7 =	simm.s32 @!p0 $0x108  }
0x21: {  	s3 =	sadd.s32 s3, s9;
	s6 =	sadd.s32 @!p0 $0x88, s6;
	s7 =	simm.s32 @p2 $0x1082  }
0x22: {  	[simem:s7], [sflag:s8] =	dma.local @!p0 [hbm:s6], $0xF7A  }
0x23: {  	s9 =	sor.u32 $0xD0000000, s2;
	s6 =	simm.s32 $0x108;
	_ =	swait.ge @!p0 [sflag:s8], $0x0  }
0x24: {  	s3 =	sadd.s32 $0x88, s3;
	s6 =	simm.s32 @!p1 $0x1082;
	[sflag:s4] =	ssyncset.s32 $0xFFFFF086  }
0x25: {  	[simem:s6], [sflag:s4] =	dma.local [hbm:s3], $0xF7A  }
0x26: {  	[smem:$0x3F9D] =	sst s1;
	(tag) =	ssettag s2;
	_ =	strace s9  }
0x27: {  	s1 =	sld [smem:$0x3FAD]  }
0x28: {  	s2 =	sld [smem:$0x3FAE]  }
0x29: {  	s4 =	sld [smem:$0x3FB0]  }
0x2a: {  	p0 =	seq.s32 s5, $0x0;
	s5 =	sld [smem:$0x3FB1]  }
0x2b: {  	s6 =	sld [smem:$0x3FB2]  }
0x2c: {  	s7 =	sld [smem:$0x3FB3]  }
0x2d: {  	s3 =	simm.s32 $0x108;
	s8 =	sld [smem:$0x3FB4]  }
0x2e: {  	s3 =	simm.s32 @!p0 $0x1082;
	s9 =	sld [smem:$0x3FB5]  }
0x2f: {  	lr =	sadd.s32 s0, s3;
	s0 =	sld [smem:$0x3FAC]  }
0x30: {  	s3 =	sld [smem:$0x3FAF]  }
0x31: {  	[smem:$0x3FB8] =	sst s10  }
0x32: {  	s10 =	sld [smem:$0x3FB6];
	_ =	sdelay $0x3  }
0x33: {  	p0 =	seq.s32 s10, $0x1;
	s10 =	sld [smem:$0x3FB8];
	_ =	sdelay $0x3  }
0x34: {  	[smem:$0x3FB8] =	sst s10  }
0x35: {  	s10 =	sld [smem:$0x3FB7];
	_ =	sdelay $0x3  }
0x36: {  	p1 =	seq.s32 s10, $0x1;
	s10 =	sld [smem:$0x3FB8];
	_ =	sdelay $0x3  }
0x37: {  	[smem:$0x3FB8] =	sst s10  }
0x38: {  	s10 =	sld [smem:$0x3FB9]  }
0x39: {  	_ = 	snop;
	(pc) =	sbr.ind lr, $3  }
0x3a: {  	_ = 	snop  }
0x3b: {  	_ = 	snop  }
0x3c: {  	p2 =	seq.s32 s10, $0x1;
	s10 =	sld [smem:$0x3FB8]  }
0x3d: {  	_ =	shalt  }
0x3e: {  	_ =	shalt  }
0x3f: {  	_ =	shalt  }
0x40: {  	_ =	shalt  }
0x41: {  	_ =	shalt  }
0x42: {  	_ =	shalt  }
0x43: {  	_ =	shalt  }
0x44: {  	_ =	shalt  }
0x45: {  	_ =	shalt  }
0x46: {  	_ =	shalt  }
0x47: {  	_ =	shalt  }
0x48: {  	_ =	shalt  }
0x49: {  	_ =	shalt  }
0x4a: {  	_ =	shalt  }
0x4b: {  	_ =	shalt  }
0x4c: {  	_ =	shalt  }
0x4d: {  	_ =	shalt  }
0x4e: {  	_ =	shalt  }
0x4f: {  	_ =	shalt  }
0x50: {  	_ =	shalt  }
0x51: {  	_ =	shalt  }
0x52: {  	_ =	shalt  }
0x53: {  	_ =	shalt  }
0x54: {  	_ =	shalt  }
0x55: {  	_ =	shalt  }
0x56: {  	_ =	shalt  }
0x57: {  	_ =	shalt  }
0x58: {  	_ =	shalt  }
0x59: {  	_ =	shalt  }
0x5a: {  	_ =	shalt  }
0x5b: {  	_ =	shalt  }
0x5c: {  	_ =	shalt  }
0x5d: {  	_ =	shalt  }
0x5e: {  	_ =	shalt  }
0x5f: {  	_ =	shalt  }
0x60: {  	_ =	shalt  }
0x61: {  	_ =	shalt  }
0x62: {  	_ =	shalt  }
0x63: {  	_ =	shalt  }
0x64: {  	_ =	shalt  }
0x65: {  	_ =	shalt  }
0x66: {  	_ =	shalt  }
0x67: {  	_ =	shalt  }
0x68: {  	_ =	shalt  }
0x69: {  	_ =	shalt  }
0x6a: {  	_ =	shalt  }
0x6b: {  	_ =	shalt  }
0x6c: {  	_ =	shalt  }
0x6d: {  	_ =	shalt  }
0x6e: {  	_ =	shalt  }
0x6f: {  	_ =	shalt  }
0x70: {  	_ =	shalt  }
0x71: {  	_ =	shalt  }
0x72: {  	_ =	shalt  }
0x73: {  	_ =	shalt  }
0x74: {  	_ =	shalt  }
0x75: {  	_ =	shalt  }
0x76: {  	_ =	shalt  }
0x77: {  	_ =	shalt  }
0x78: {  	_ =	shalt  }
0x79: {  	_ =	shalt  }
0x7a: {  	_ =	shalt  }
0x7b: {  	_ =	shalt  }
0x7c: {  	_ =	shalt  }
0x7d: {  	_ =	shalt  }
0x7e: {  	_ =	shalt  }
0x7f: {  	_ =	shalt  }
0x80: {  	_ =	shalt  }
0x81: {  	_ =	shalt  }
0x82: {  	_ =	shalt  }
0x83: {  	_ =	shalt  }
0x84: {  	_ =	shalt  }
0x85: {  	_ =	shalt  }
0x86: {  	_ =	shalt  }
0x87: {  	_ =	shalt  }
.Lfunc_end0:
.L_simem_size_0:
called_computation_lowered:
.L_overlay_start_0:
0x88: {  	s2 =	sld [smem:$0x3FD9]  }
0x89: {  	s3 =	sld [smem:$0x3FFE];
	_ =	sdelay $0x1  }
0x8a: {  	s1 =	srdreg.scid  }
0x8b: {  	s0 =	sand.u32 $0x1, s1  }
0x8c: {  	s17 =	sshll.u32 s0, $0xA;
	s2 =	sadd.s32 s3, s2  }
0x8d: {  	s2 =	sadd.s32 s2, s17  }
0x8e: {  	[smem:$0x3FC4] =	sst s2  }
0x8f: {  	_ = 	snop  }
0x90: {  	s2 =	sld [smem:$0x3FC9]  }
0x91: {  	s18 =	sld [smem:$0x3FC7]  }
0x92: {  	s4 =	sld [smem:$0x3FC6];
	(tm) =	ssettm $0x1  }
0x93: {  	s5 =	sld [smem:$0x3FFB];
	_ =	sdelay $0x3  }
0x94: {  	_ =	strace s5  }
0x95: {  	s5 =	sld [smem:$0x3FFC];
	_ =	sdelay $0x3  }
0x96: {  	_ =	strace s5  }
0x97: {  	s5 =	sld [smem:$0x3FFD];
	_ =	sdelay $0x3  }
0x98: {  	_ =	strace s5  }
0x99: {  	_ =	strace $0x8FFFFFFF  }
0x9a: {  	s19 =	sld [smem:$0x3FDB];
	_ =	sdelay $0x1  }
0x9b: {  	s6 =	simm.s32 $_scs_section_size  }
0x9c: {  	s7 =	simm.s32 $_size__tile_overlayer_lowered;
	s8 =	simm.s32 $_tile_overlayer_lowered  }
0x9d: {  	s22 =	simm.s32 $0x1BFF;
	s21 =	sshll.u32 s8, $0x1;
	s5 =	sadd.s32 s6, s19  }
0x9e: {  	s9 =	simm.s32 $0x0;
	s20 =	sshll.u32 s7, $0x1;
	s7 =	sadd.s32 s21, s5  }
0x9f: {  	[timem:s9], [sflag:s22] =	dma.local [hbm:s7], s20  }
0xa0: {  	_ =	swait.ge [sflag:s22], s20  }
0xa1: {  	s6 =	ssub.s32 $0x0, s20;
	[sflag:s22] =	ssyncset.done $0x0  }
0xa2: {  	[sflag:s22] =	ssyncadd.s32 s6;
	_ =	sdelay $0x1  }
0xa3: {  	s23 =	simm.s32 $0x1B8B  }
0xa4: {  	_ =	swait.ge [sflag:s23], $0x1  }
0xa5: {  	[sflag:s23] =	ssyncset.done $0x0  }
0xa6: {  	s25 =	simm.s32 $0x1B8E;
	s24 =	sld [smem:$0x3FFE];
	[sflag:s23] =	ssyncadd.s32 $0xFFFFFFFF  }
0xa7: {  	s26 =	simm.s32 $execute0_lowered;
	[smem:$0x3FD2] =	sst s25  }
0xa8: {  	s7 =	sshll.u32 s26, $0x1;
	_ =	strace $0x80000046;
	[dreg:$0x1] =	wrdreg $0xFFFFFFFF  }
0xa9: {  	s28 =	simm.s32 $_size_execute0_lowered;
	s5 =	sadd.s32 s5, s7;
	[dreg:$0x0] =	wrdreg $0x0  }
0xaa: {  	s7 =	sshll.u32 s28, $0x1;
	[dreg:$0x2] =	wrdreg s5  }
0xab: {  	[dreg:$0x3] =	wrdreg s7  }
0xac: {  	[dreg:$0x4] =	wrdreg $0xC0  }
0xad: {  	_ =	task [dreg:s9], $0x5FFFF  }
0xae: {  	[dreg:$0x1] =	wrdreg $0xFFFFFFFF  }
0xaf: {  	[dreg:$0x0] =	wrdreg $0x60  }
0xb0: {  	[dreg:$0x2] =	wrdreg s2  }
0xb1: {  	[dreg:$0x3] =	wrdreg s24  }
0xb2: {  	[dreg:$0x4] =	wrdreg s18  }
0xb3: {  	[dreg:$0x5] =	wrdreg s4  }
0xb4: {  	[dreg:$0x6] =	wrdreg $0x9  }
0xb5: {  	_ =	task.clear_ibuf [dreg:s9], $0x7FFFF;
	_ =	strace $0x90000046  }
0xb6: {  	s29 =	simm.s32 $0x9;
	_ =	strace $0x80000048  }
0xb7: {  	_ =	swait.ge [sflag:s29], $0x1  }
0xb8: {  	[sflag:s29] =	ssyncadd.s32 $0xFFFFFFFF  }
0xb9: {  	_ =	strace $0x90000048  }
0xba: {  	_ =	sfence  }
0xbb: {  	s30 =	sld [smem:$0x0];
	_ =	sdelay $0x2  }
0xbc: {  	s31 =	sshll.u32 s1, $0xD;
	s1 =	sshrl.u32 s1, $0x2  }
0xbd: {  	s3 =	sand.u32 $0x4000, s31;
	s1 =	sadd.s32 s1, s30  }
0xbe: {  	s0 =	sor.u32 s3, s0;
	s1 =	sshll.u32 s1, $0x11  }
0xbf: {  	s0 =	sor.u32 s1, s0  }
0xc0: {  	s0 =	sadd.s32 $0x8F2B, s0  }
0xc1: {  	[sflag:s0] =	ssyncadd.remote.s32 $0x1  }
0xc2: {  	_ =	sfence.sel $0xFFFF  }
0xc3: {  	[dreg:$0x0] =	wrdreg $0xFFFFFFFF;
	(pc) =	sbr.abs _section_cstart, $3  }
0xc4: {  	[dreg:$0x1] =	wrdreg $0xFFFFFFFF  }
0xc5: {  	_ =	task.clear_ibuf [dreg:s9], $0x2FFFF;
	_ =	strace $0x9FFFFFFF  }
0xc6: {  	(tm) =	ssettm $0x7FFFFFFF  }
0xc7: {  	_ =	shalt  }
tec
execute0_lowered:
.L_overlay_start_1:
0x0: {  	(tag) =	ssettag $0x1  }
0x1: {  	v0 =	vimm.s32 $0xEFCDAB89  }
0x2: {  	v1 =	vimm.s32 $0x67452301;
	v2 =	vimm.s32 $0xDCFE98BA;
	v3 =	vimm.s32 $0x54761032  }
0x3: {  	s6 =	rddreg [dreg:$0x0];
	v4 =	vimm.s32 $0xBA98FEDC;
	v5 =	vimm.s32 $0x32107654;
	v6 =	vimm.s32 $0xFEDCBA98  }
0x4: {  	s7 =	rddreg [dreg:$0x1];
	s5 =	srdreg.scid;
	v7 =	vimm.s32 $0x76543210;
	v0 =	vunpack.c.l.s4.s8 v0;
	v1 =	vunpack.c.l.s4.s8 v1  }
0x5: {  	s4 =	simm.s32 $0x0;
	s0 =	stileid.u32;
	s12 =	simm.s32 $0x1;
	v2 =	vunpack.c.l.s4.s8 v2;
	v3 =	vunpack.c.l.s4.s8 v3;
	v4 =	vunpack.c.l.s4.s8 v4  }
0x6: {  	s13 =	simm.s32 $0x200;
	s14 =	simm.s32 $0x0;
	s5 =	sand.u32 $0x1, s5;
	v5 =	vunpack.c.l.s4.s8 v5;
	v6 =	vunpack.c.l.s4.s8 v6;
	v7 =	vunpack.c.l.s4.s8 v7  }
0x7: {  	[smem:$0x7FF] =	sst s4;
	s8 =	sshll.u32 s0, $0xA;
	s9 =	sshll.u32 s5, $0x9;
	v0 =	vunpack.c.0.s8.s32 v0;
	v1 =	vunpack.c.0.s8.s32 v1;
	v2 =	vunpack.c.0.s8.s32 v2  }
0x8: {  	_ =	strace $0x80000047;
	s31 =	ssub.s32 $0x2, s5;
	s8 =	sor.u32 s9, s8;
	v3 =	vunpack.c.0.s8.s32 v3;
	v4 =	vunpack.c.0.s8.s32 v4;
	v5 =	vunpack.c.0.s8.s32 v5  }
0x9: {  	s5 =	sadd.s32 $0x400, s7;
	s11 =	sshrl.u32 s31, $0x1;
	s10 =	sshll.u32 s8, $0x4;
	v0 =	vcombine.low v1, v0;
	v1 =	vunpack.c.0.s8.s32 v6  }
0xa: {  	s9 =	ssub.s32 s31, s11;
	s8 =	sshrl.u32 s8, $0x3;
	s11 =	simm.s32 $0x10280;
	v2 =	vcombine.low v3, v2;
	v3 =	vcombine.low v5, v4;
	v4 =	vunpack.c.0.s8.s32 v7  }
0xb: {  	s7 =	sadd.s32 s10, s7;
	s6 =	sadd.s32 s6, s8;
	s8 =	smax.u32 s9, $0x1;
	v0 =	vand.u32 $0xF, v0;
	v5 =	vand.u32 $0xF, v1  }
0xc: {  	s9 =	simm.s32 $0x2;
	s10 =	simm.s32 $0x10200;
	s7 =	sadd.s32 $0x187000, s7;
	v2 =	vand.u32 $0xF, v2;
	v3 =	vand.u32 $0xF, v3;
	v1 =	vcombine.low v5, v4  }
.LBB2_1:
0xd: {  	[tilespmem:s4], [sflag:$0x2] =	stream.linear.gather [hbm4b:s6+s4], $0x200, $0x38;
	[tilespmem:$0x10300] =	vst v63  }
0xe: {  	_ =	swait.ge [sflag:s9], $0x200  }
0xf: {  	[sflag:s9] =	ssyncset.done $0x0  }
0x10: {  	[sflag:s9] =	ssyncadd.s32 $0xFFFFFE00  }
0x11: {  	s0 =	rddreg [dreg:$0x2]  }
0x12: {  	[tilespmem:s10], [sflag:$0x2] =	stream.linear.gather [hbm4b:s0+s4], $0x80, $0x38;
	[tilespmem:$0x10300] =	vst v63  }
0x13: {  	_ =	swait.ge [sflag:s9], $0x80  }
0x14: {  	[sflag:s9] =	ssyncset.done $0x0  }
0x15: {  	[sflag:s9] =	ssyncadd.s32 $0xFFFFFF80  }
0x16: {  	s31 =	rddreg [dreg:$0x3]  }
0x17: {  	[tilespmem:s11], [sflag:$0x2] =	stream.linear.gather [hbm4b:s31+s4], $0x80, $0x38;
	[tilespmem:$0x10300] =	vst v63  }
0x18: {  	_ =	swait.ge [sflag:s9], $0x80  }
0x19: {  	[sflag:s9] =	ssyncset.done $0x0  }
0x1a: {  	[sflag:s9] =	ssyncadd.s32 $0xFFFFFF80  }
0x1b: {  	v4 =	vld [tilespmem:s4+$0x0];
	_ =	sdelay $0x4  }
0x1c: {  	v4 =	vshll.u32 v4, $0x4  }
0x1d: {  	(v2sf) =	vpush v4, $0x0  }
0x1e: {  	(v2sf) =	vpush v4, $0x1  }
0x1f: {  	(v2sf) =	vpush v4, $0x2;
	_ =	sdelay $0x1  }
0x20: {  	(v2sf) =	vpush v4, $0x4;
	_ =	sdelay $0x1  }
0x21: {  	(v2sf) =	vpush v4, $0x3  }
0x22: {  	(v2sf) =	vpush v4, $0x5  }
0x23: {  	s16 =	simm.s32 $0x2000;
	s15 =	simm.s32 $0x0;
	s17 =	simm.s32 $0x0;
	(v2sf) =	vpush v4, $0x6  }
.LBB2_2:
0x24: {  	p0 =	sne.s32 s16, $0x3E000  }
0x25: {  	s28 =	sadd.s32 $0x280, s15;
	s21 =	sadd.s32 $0x780, s15;
	s18 =	smov.u32 s16  }
0x26: {  	s16 =	sadd.s32 $0x2000, s16;
	s24 =	sadd.s32 $0x580, s15;
	s19 =	sadd.s32 $0x800, s15;
	(v2sf) =	vpush v4, $0x7  }
0x27: {  	s26 =	sadd.s32 $0x480, s15;
	s23 =	sadd.s32 $0x600, s15;
	s20 =	sadd.s32 $0x880, s15  }
0x28: {  	s29 =	sadd.s32 $0x200, s15;
	s30 =	sadd.s32 $0x400, s15;
	(v2sf) =	vpush v4, $0x8  }
0x29: {  	s31 =	sadd.s32 $0x500, s15;
	s17 =	sadd.s32 $0x10, s17  }
0x2a: {  	s0 =	sadd.s32 $0x300, s15;
	s22 =	sadd.s32 $0x700, s15;
	s25 =	spop (v2sf);
	(v2sf) =	vpush v4, $0x9  }
0x2b: {  	s3 =	sand.u32 $0x1FFFFFF0, s25;
	s25 =	sadd.s32 $0x680, s15;
	s1 =	spop (v2sf)  }
0x2c: {  	s3 =	sadd.s32 s5, s3;
	s1 =	sand.u32 $0x1FFFFFF0, s1;
	s2 =	spop (v2sf);
	(v2sf) =	vpush v4, $0xA  }
0x2d: {  	[tilespmem:s29], [sflag:$0x1] =	stream.linear.gather [hbm4b:s3+s4], $0x80, $0x38;
	[tilespmem:$0x10300] =	vst v63  }
0x2e: {  	s1 =	sadd.s32 s5, s1;
	s3 =	sadd.s32 $0x380, s15;
	s29 =	spop (v2sf);
	(v2sf) =	vpush v4, $0xB  }
0x2f: {  	[tilespmem:s28], [sflag:$0x1] =	stream.linear.gather [hbm4b:s1+s4], $0x80, $0x38;
	[tilespmem:$0x10300] =	vst v63  }
0x30: {  	s1 =	sand.u32 $0x1FFFFFF0, s2;
	s2 =	sand.u32 $0x1FFFFFF0, s29;
	s28 =	spop (v2sf);
	(v2sf) =	vpush v4, $0xC  }
0x31: {  	s1 =	sadd.s32 s5, s1;
	s28 =	sand.u32 $0x1FFFFFF0, s28;
	s29 =	spop (v2sf)  }
0x32: {  	[tilespmem:s0], [sflag:$0x1] =	stream.linear.gather [hbm4b:s1+s4], $0x80, $0x38;
	(v2sf) =	vpush v4, $0xD;
	[tilespmem:$0x10300] =	vst v63  }
0x33: {  	s0 =	sadd.s32 s5, s28;
	s1 =	sand.u32 $0x1FFFFFF0, s29;
	s28 =	spop (v2sf)  }
0x34: {  	[tilespmem:s3], [sflag:$0x1] =	stream.linear.gather [hbm4b:s0+s4], $0x80, $0x38;
	(v2sf) =	vpush v4, $0xE;
	[tilespmem:$0x10300] =	vst v63  }
0x35: {  	s0 =	sadd.s32 s5, s2;
	s2 =	sand.u32 $0x1FFFFFF0, s28;
	s3 =	spop (v2sf)  }
0x36: {  	[tilespmem:s30], [sflag:$0x1] =	stream.linear.gather [hbm4b:s0+s4], $0x80, $0x38;
	(v2sf) =	vpush v4, $0xF;
	[tilespmem:$0x10300] =	vst v63  }
0x37: {  	s0 =	sadd.s32 s5, s1;
	s1 =	sand.u32 $0x1FFFFFF0, s3;
	s3 =	spop (v2sf)  }
0x38: {  	[tilespmem:s26], [sflag:$0x1] =	stream.linear.gather [hbm4b:s0+s4], $0x80, $0x38;
	[tilespmem:$0x10300] =	vst v63  }
0x39: {  	s0 =	sadd.s32 s5, s2;
	s2 =	sand.u32 $0x1FFFFFF0, s3;
	s3 =	spop (v2sf)  }
0x3a: {  	[tilespmem:s31], [sflag:$0x1] =	stream.linear.gather [hbm4b:s0+s4], $0x80, $0x38;
	[tilespmem:$0x10300] =	vst v63  }
0x3b: {  	s0 =	sadd.s32 s5, s1;
	s1 =	sand.u32 $0x1FFFFFF0, s3;
	s3 =	spop (v2sf)  }
0x3c: {  	[tilespmem:s24], [sflag:$0x1] =	stream.linear.gather [hbm4b:s0+s4], $0x80, $0x38;
	[tilespmem:$0x10300] =	vst v63  }
0x3d: {  	s0 =	sadd.s32 s5, s2;
	s2 =	sand.u32 $0x1FFFFFF0, s3;
	s3 =	spop (v2sf)  }
0x3e: {  	[tilespmem:s23], [sflag:$0x1] =	stream.linear.gather [hbm4b:s0+s4], $0x80, $0x38;
	[tilespmem:$0x10300] =	vst v63  }
0x3f: {  	s0 =	sadd.s32 s5, s1;
	s1 =	sand.u32 $0x1FFFFFF0, s3;
	s3 =	spop (v2sf)  }
0x40: {  	[tilespmem:s25], [sflag:$0x1] =	stream.linear.gather [hbm4b:s0+s4], $0x80, $0x38;
	[tilespmem:$0x10300] =	vst v63  }
0x41: {  	s0 =	sadd.s32 s5, s2;
	s2 =	sand.u32 $0x1FFFFFF0, s3;
	s3 =	spop (v2sf)  }
0x42: {  	[tilespmem:s22], [sflag:$0x1] =	stream.linear.gather [hbm4b:s0+s4], $0x80, $0x38;
	[tilespmem:$0x10300] =	vst v63  }
0x43: {  	s0 =	sadd.s32 s5, s1;
	s1 =	sand.u32 $0x1FFFFFF0, s3;
	s3 =	spop (v2sf)  }
0x44: {  	[tilespmem:s21], [sflag:$0x1] =	stream.linear.gather [hbm4b:s0+s4], $0x80, $0x38;
	[tilespmem:$0x10300] =	vst v63  }
0x45: {  	s0 =	sadd.s32 s5, s2;
	s2 =	sand.u32 $0x1FFFFFF0, s3;
	s3 =	spop (v2sf)  }
0x46: {  	[tilespmem:s19], [sflag:$0x1] =	stream.linear.gather [hbm4b:s0+s4], $0x80, $0x38;
	[tilespmem:$0x10300] =	vst v63  }
0x47: {  	s0 =	sadd.s32 s5, s1;
	s1 =	sand.u32 $0x1FFFFFF0, s3  }
0x48: {  	[tilespmem:s20], [sflag:$0x1] =	stream.linear.gather [hbm4b:s0+s4], $0x80, $0x38;
	[tilespmem:$0x10300] =	vst v63  }
0x49: {  	s2 =	sadd.s32 s5, s2;
	s0 =	sadd.s32 $0x900, s15  }
0x4a: {  	[tilespmem:s0], [sflag:$0x1] =	stream.linear.gather [hbm4b:s2+s4], $0x80, $0x38;
	[tilespmem:$0x10300] =	vst v63  }
0x4b: {  	s1 =	sadd.s32 s5, s1;
	s0 =	sadd.s32 $0x980, s15  }
0x4c: {  	[tilespmem:s0], [sflag:$0x1] =	stream.linear.gather [hbm4b:s1+s4], $0x80, $0x38;
	[tilespmem:$0x10300] =	vst v63  }
0x4d: {  	v4 =	vld [tilespmem:s17+$0x0];
	_ =	sdelay $0x4  }
0x4e: {  	v4 =	vshll.u32 v4, $0x4  }
0x4f: {  	(v2sf) =	vpush v4, $0x0  }
0x50: {  	(v2sf) =	vpush v4, $0x1  }
0x51: {  	(v2sf) =	vpush v4, $0x2;
	_ =	sdelay $0x1  }
0x52: {  	(v2sf) =	vpush v4, $0x4  }
.Ltmp0:
0x53: {  	(pc) =	sbr.rel @p0 .LBB2_2-.Ltmp0, $3  }
0x54: {  	(v2sf) =	vpush v4, $0x3  }
0x55: {  	(v2sf) =	vpush v4, $0x5;
	_ =	sdelay $0x1  }
0x56: {  	s15 =	sshra.s32 s18, $0x2;
	(v2sf) =	vpush v4, $0x6  }
0x57: {  	_ =	sdelay $0x1  }
0x58: {  	s0 =	sadd.s32 $0x280, s15;
	s18 =	sadd.s32 $0x780, s15  }
0x59: {  	s1 =	sadd.s32 $0x580, s15;
	s16 =	sadd.s32 $0x800, s15;
	(v2sf) =	vpush v4, $0x7;
	s2 =	sadd.s32 $0x480, s15  }
0x5a: {  	s3 =	sadd.s32 $0x600, s15;
	s17 =	sadd.s32 $0x880, s15;
	s19 =	sadd.s32 $0x200, s15  }
0x5b: {  	s20 =	sadd.s32 $0x400, s15;
	s21 =	sadd.s32 $0x500, s15;
	(v2sf) =	vpush v4, $0x8;
	s22 =	spop (v2sf)  }
0x5c: {  	s23 =	sadd.s32 $0x300, s15;
	s22 =	sand.u32 $0x1FFFFFF0, s22;
	s24 =	spop (v2sf)  }
0x5d: {  	(v2sf) =	vpush v4, $0x9;
	s22 =	sadd.s32 s5, s22;
	s24 =	sand.u32 $0x1FFFFFF0, s24;
	s25 =	spop (v2sf)  }
0x5e: {  	[tilespmem:s19], [sflag:$0x1] =	stream.linear.gather [hbm4b:s22+s4], $0x80, $0x38;
	[tilespmem:$0x10300] =	vst v63  }
0x5f: {  	(v2sf) =	vpush v4, $0xA;
	s26 =	sadd.s32 s5, s24;
	s29 =	sand.u32 $0x1FFFFFF0, s25;
	s28 =	spop (v2sf)  }
0x60: {  	[tilespmem:s0], [sflag:$0x1] =	stream.linear.gather [hbm4b:s26+s4], $0x80, $0x38;
	[tilespmem:$0x10300] =	vst v63  }
0x61: {  	s19 =	sadd.s32 $0x700, s15;
	(v2sf) =	vpush v4, $0xB;
	s22 =	sadd.s32 s5, s29;
	s30 =	spop (v2sf)  }
0x62: {  	s0 =	sadd.s32 $0x680, s15;
	s26 =	sadd.s32 $0x380, s15;
	s25 =	sand.u32 $0x1FFFFFF0, s30  }
0x63: {  	(v2sf) =	vpush v4, $0xC;
	[tilespmem:s23], [sflag:$0x1] =	stream.linear.gather [hbm4b:s22+s4], $0x80, $0x38;
	[tilespmem:$0x10300] =	vst v63  }
0x64: {  	s31 =	sand.u32 $0x1FFFFFF0, s28;
	s28 =	spop (v2sf);
	s29 =	sadd.s32 s5, s25  }
0x65: {  	(v2sf) =	vpush v4, $0xD;
	[tilespmem:s26], [sflag:$0x1] =	stream.linear.gather [hbm4b:s29+s4], $0x80, $0x38;
	[tilespmem:$0x10300] =	vst v63  }
0x66: {  	s22 =	sadd.s32 s5, s31;
	s23 =	sand.u32 $0x1FFFFFF0, s28;
	s30 =	spop (v2sf)  }
0x67: {  	(v2sf) =	vpush v4, $0xE;
	[tilespmem:s20], [sflag:$0x1] =	stream.linear.gather [hbm4b:s22+s4], $0x80, $0x38;
	[tilespmem:$0x10300] =	vst v63  }
0x68: {  	s23 =	sadd.s32 s5, s23;
	s31 =	sand.u32 $0x1FFFFFF0, s30;
	s24 =	spop (v2sf)  }
0x69: {  	(v2sf) =	vpush v4, $0xF;
	[tilespmem:s2], [sflag:$0x1] =	stream.linear.gather [hbm4b:s23+s4], $0x80, $0x38;
	[tilespmem:$0x10300] =	vst v63  }
0x6a: {  	s25 =	sand.u32 $0x1FFFFFF0, s24;
	s26 =	spop (v2sf);
	s20 =	sadd.s32 s5, s31  }
0x6b: {  	[tilespmem:s21], [sflag:$0x1] =	stream.linear.gather [hbm4b:s20+s4], $0x80, $0x38;
	[tilespmem:$0x10300] =	vst v63  }
0x6c: {  	s28 =	sand.u32 $0x1FFFFFF0, s26;
	s2 =	sadd.s32 s5, s25;
	s29 =	spop (v2sf)  }
0x6d: {  	[tilespmem:s1], [sflag:$0x1] =	stream.linear.gather [hbm4b:s2+s4], $0x80, $0x38;
	[tilespmem:$0x10300] =	vst v63  }
0x6e: {  	s20 =	sadd.s32 s5, s28;
	s30 =	sand.u32 $0x1FFFFFF0, s29;
	s31 =	spop (v2sf)  }
0x6f: {  	[tilespmem:s3], [sflag:$0x1] =	stream.linear.gather [hbm4b:s20+s4], $0x80, $0x38;
	[tilespmem:$0x10300] =	vst v63  }
0x70: {  	s2 =	sand.u32 $0x1FFFFFF0, s31;
	s1 =	sadd.s32 s5, s30;
	s20 =	spop (v2sf)  }
0x71: {  	[tilespmem:s0], [sflag:$0x1] =	stream.linear.gather [hbm4b:s1+s4], $0x80, $0x38;
	[tilespmem:$0x10300] =	vst v63  }
0x72: {  	s2 =	sadd.s32 s5, s2;
	s21 =	sand.u32 $0x1FFFFFF0, s20;
	s22 =	spop (v2sf)  }
0x73: {  	[tilespmem:s19], [sflag:$0x1] =	stream.linear.gather [hbm4b:s2+s4], $0x80, $0x38;
	[tilespmem:$0x10300] =	vst v63  }
0x74: {  	s0 =	sadd.s32 s5, s21;
	s1 =	sand.u32 $0x1FFFFFF0, s22;
	s23 =	spop (v2sf)  }
0x75: {  	[tilespmem:s18], [sflag:$0x1] =	stream.linear.gather [hbm4b:s0+s4], $0x80, $0x38;
	[tilespmem:$0x10300] =	vst v63  }
0x76: {  	s24 =	sand.u32 $0x1FFFFFF0, s23;
	s1 =	sadd.s32 s5, s1;
	s25 =	spop (v2sf)  }
0x77: {  	[tilespmem:s16], [sflag:$0x1] =	stream.linear.gather [hbm4b:s1+s4], $0x80, $0x38;
	[tilespmem:$0x10300] =	vst v63  }
0x78: {  	s26 =	sand.u32 $0x1FFFFFF0, s25;
	s28 =	spop (v2sf);
	s0 =	sadd.s32 s5, s24  }
0x79: {  	[tilespmem:s17], [sflag:$0x1] =	stream.linear.gather [hbm4b:s0+s4], $0x80, $0x38;
	[tilespmem:$0x10300] =	vst v63  }
0x7a: {  	s30 =	sadd.s32 $0x900, s15;
	s29 =	sand.u32 $0x1FFFFFF0, s28;
	s1 =	sadd.s32 s5, s26  }
0x7b: {  	[tilespmem:s30], [sflag:$0x1] =	stream.linear.gather [hbm4b:s1+s4], $0x80, $0x38;
	[tilespmem:$0x10300] =	vst v63  }
0x7c: {  	s31 =	sadd.s32 $0x980, s15;
	s0 =	sadd.s32 s5, s29  }
0x7d: {  	[tilespmem:s31], [sflag:$0x1] =	stream.linear.gather [hbm4b:s0+s4], $0x80, $0x38;
	[tilespmem:$0x10300] =	vst v63  }
0x7e: {  	_ =	swait.ge [sflag:s12], $0x10000  }
0x7f: {  	[sflag:s12] =	ssyncset.done $0x0  }
0x80: {  	s15 =	simm.s32 $0x400;
	[sflag:s12] =	ssyncadd.s32 $0xFFFF0000  }
0x81: {  	v4 =	vld [tilespmem:s15+$0x180]  }
0x82: {  	v5 =	vld [tilespmem:s15+$0x190]  }
0x83: {  	v7 =	vld [tilespmem:s15+$0x1A0]  }
0x84: {  	v8 =	vld [tilespmem:s15+$0x1B0]  }
0x85: {  	v9 =	vld [tilespmem:s15+$0xFFFFFE10]  }
0x86: {  	v10 =	vld [tilespmem:s15+$0xFFFFFE20]  }
0x87: {  	v11 =	vld [tilespmem:s15+$0xFFFFFE30]  }
0x88: {  	v12 =	vld [tilespmem:s15+$0xFFFFFE80]  }
0x89: {  	v13 =	vld [tilespmem:s15+$0xFFFFFE90]  }
0x8a: {  	v15 =	vld [tilespmem:s15+$0xFFFFFEA0]  }
0x8b: {  	v16 =	vld [tilespmem:s15+$0xFFFFFEB0]  }
0x8c: {  	v21 =	vld [tilespmem:s15+$0xFFFFFF00]  }
0x8d: {  	v17 =	vld [tilespmem:s15+$0xFFFFFF10]  }
0x8e: {  	v18 =	vld [tilespmem:s15+$0xFFFFFF20]  }
0x8f: {  	v19 =	vld [tilespmem:s15+$0xFFFFFF30]  }
0x90: {  	v20 =	vld [tilespmem:s15+$0xFFFFFFA0];
	v6 =	vadd.f32 v5, v4;
	v14 =	vadd.f32 v8, v7  }
0x91: {  	v22 =	vld [tilespmem:s15+$0xFFFFFFB0];
	v25 =	vadd.f32 v13, v12  }
0x92: {  	v37 =	vld [tilespmem:s15+$0x30];
	v26 =	vadd.f32 v16, v15;
	v6 =	vadd.f32 v14, v6  }
0x93: {  	v40 =	vld [tilespmem:s15+$0xA0]  }
0x94: {  	v41 =	vld [tilespmem:s15+$0xB0];
	v26 =	vadd.f32 v26, v25;
	v14 =	vperm.xlane v6, v0  }
0x95: {  	v42 =	vld [tilespmem:s15+$0x100]  }
0x96: {  	v44 =	vld [tilespmem:s15+$0x110];
	v31 =	vperm.xlane v26, v0;
	v23 =	vadd.f32 v6, v14  }
0x97: {  	v46 =	vld [tilespmem:s15+$0x120]  }
0x98: {  	v45 =	vld [tilespmem:s15+$0x130];
	v26 =	vadd.f32 v26, v31;
	v24 =	vperm.xlane v23, v2  }
0x99: {  	v25 =	vld [tilespmem:s15+$0x20]  }
0x9a: {  	v14 =	vld [tilespmem:s15+$0xFFFFFF80];
	v34 =	vperm.xlane v26, v2;
	v27 =	vadd.f32 v23, v24  }
0x9b: {  	v29 =	vadd.f32 v17, v21;
	v30 =	vadd.f32 v19, v18;
	v6 =	vld [tilespmem:s15+$0xFFFFFF90]  }
0x9c: {  	v32 =	vadd.f32 v11, v10;
	v26 =	vadd.f32 v26, v34;
	v34 =	vld [tilespmem:s15+$0xFFFFFE00];
	v28 =	vperm.xlane v27, v3  }
0x9d: {  	v36 =	vadd.f32 v44, v42;
	v61 =	vadd.f32 v45, v46;
	v23 =	vld [tilespmem:s15+$0x0]  }
0x9e: {  	v56 =	vadd.f32 v41, v40;
	v24 =	vld [tilespmem:s15+$0x10];
	v27 =	vadd.f32 v27, v28  }
0x9f: {  	v38 =	vld [tilespmem:s15+$0x80];
	v36 =	vadd.f32 v61, v36;
	v49 =	vperm.xlane v26, v3;
	v28 =	vadd.f32 v30, v29  }
0xa0: {  	v39 =	vld [tilespmem:s15+$0x90];
	v29 =	vadd.f32 v6, v14;
	v30 =	vadd.f32 v22, v20;
	v31 =	vperm.xlane v27, v1  }
0xa1: {  	v26 =	vadd.f32 v26, v49;
	v60 =	vadd.f32 v9, v34  }
0xa2: {  	v33 =	vperm.xlane v28, v0;
	v29 =	vadd.f32 v30, v29;
	v27 =	vadd.f32 v27, v31  }
0xa3: {  	v30 =	vadd.f32 v24, v23;
	v31 =	vadd.f32 v37, v25  }
0xa4: {  	v28 =	vadd.f32 v28, v33;
	v55 =	vperm.xlane v29, v0;
	v27 =	vmul.f32 $1.562500000e-02, v27  }
0xa5: {  	v30 =	vadd.f32 v31, v30;
	v31 =	vadd.f32 v39, v38  }
0xa6: {  	v29 =	vadd.f32 v29, v55;
	v4 =	vsub.f32 v4, v27  }
0xa7: {  	v59 =	vperm.xlane v28, v2;
	v5 =	vsub.f32 v5, v27;
	v7 =	vsub.f32 v7, v27  }
0xa8: {  	v58 =	vsub.f32 v8, v27;
	v8 =	vadd.f32 v56, v31;
	v31 =	vperm.xlane v30, v0  }
0xa9: {  	v32 =	vadd.f32 v32, v60;
	v62 =	vperm.xlane v29, v2;
	v27 =	vmul.f32 v4, v4  }
0xaa: {  	v28 =	vadd.f32 v28, v59;
	v35 =	vmul.f32 v5, v5;
	v47 =	vmul.f32 v7, v7  }
0xab: {  	v48 =	vmul.f32 v58, v58;
	v30 =	vadd.f32 v30, v31;
	v31 =	vperm.xlane v8, v0  }
0xac: {  	v51 =	vperm.xlane v36, v0;
	v29 =	vadd.f32 v29, v62;
	v27 =	vadd.f32 v35, v27  }
0xad: {  	v53 =	vperm.xlane v28, v3;
	v57 =	vadd.f32 v48, v47;
	v8 =	vadd.f32 v8, v31  }
0xae: {  	v63 =	vperm.xlane v30, v2;
	v31 =	vperm.xlane v32, v0;
	v35 =	vadd.f32 v36, v51  }
0xaf: {  	v28 =	vadd.f32 v28, v53;
	v27 =	vadd.f32 v57, v27;
	v52 =	vperm.xlane v8, v2  }
0xb0: {  	v31 =	vadd.f32 v32, v31;
	v30 =	vadd.f32 v30, v63;
	v56 =	vperm.xlane v35, v2  }
0xb1: {  	v57 =	vperm.xlane v29, v3;
	v43 =	vperm.xlane v27, v0;
	v8 =	vadd.f32 v8, v52  }
0xb2: {  	v55 =	vperm.xlane v31, v2;
	v59 =	vperm.xlane v30, v3;
	v35 =	vadd.f32 v35, v56  }
0xb3: {  	v29 =	vadd.f32 v29, v57;
	v52 =	vperm.xlane v28, v1;
	v27 =	vadd.f32 v27, v43  }
0xb4: {  	v31 =	vadd.f32 v31, v55;
	v60 =	vperm.xlane v8, v3;
	v30 =	vadd.f32 v30, v59  }
0xb5: {  	v63 =	vperm.xlane v35, v3;
	v43 =	vperm.xlane v26, v1;
	v28 =	vadd.f32 v28, v52  }
0xb6: {  	v54 =	vperm.xlane v27, v2;
	v62 =	vperm.xlane v31, v3;
	v8 =	vadd.f32 v8, v60  }
0xb7: {  	v55 =	vperm.xlane v29, v1;
	v53 =	vadd.f32 v35, v63;
	v26 =	vadd.f32 v26, v43  }
0xb8: {  	v56 =	vperm.xlane v30, v1;
	v27 =	vadd.f32 v27, v54;
	v31 =	vadd.f32 v31, v62  }
0xb9: {  	v57 =	vperm.xlane v8, v1;
	v60 =	vmul.f32 $1.562500000e-02, v26;
	v26 =	vadd.f32 v29, v55  }
0xba: {  	v59 =	vperm.xlane v53, v1;
	v29 =	vadd.f32 v30, v56;
	v61 =	vperm.xlane v27, v3  }
0xbb: {  	v47 =	vperm.xlane v31, v1;
	v30 =	vadd.f32 v8, v57;
	v36 =	vmul.f32 $1.562500000e-02, v26  }
0xbc: {  	v62 =	vmul.f32 $1.562500000e-02, v29;
	v29 =	vsub.f32 v16, v60;
	v27 =	vadd.f32 v27, v61  }
0xbd: {  	v31 =	vadd.f32 v31, v47;
	v61 =	vmul.f32 $1.562500000e-02, v28;
	v28 =	vadd.f32 v53, v59  }
0xbe: {  	v59 =	vsub.f32 v12, v60;
	v33 =	vsub.f32 v14, v36  }
0xbf: {  	v63 =	vmul.f32 $1.562500000e-02, v30;
	v52 =	vsub.f32 v6, v36;
	v35 =	vsub.f32 v20, v36  }
0xc0: {  	[tilespmem:$0x1FF50] =	vst v5;
	v36 =	vsub.f32 v22, v36;
	v5 =	vsub.f32 v25, v62;
	v54 =	vperm.xlane v27, v1  }
0xc1: {  	v43 =	vmul.f32 $1.562500000e-02, v28;
	v28 =	vsub.f32 v15, v60;
	v16 =	vsub.f32 v21, v61  }
0xc2: {  	v31 =	vmul.f32 $1.562500000e-02, v31;
	v32 =	vsub.f32 v19, v61;
	v27 =	vadd.f32 v27, v54  }
0xc3: {  	v22 =	vsub.f32 v39, v63;
	v21 =	vsub.f32 v40, v63  }
0xc4: {  	v20 =	vsub.f32 v41, v63;
	v8 =	vsub.f32 v34, v31;
	v27 =	vmul.f32 $1.562500000e-02, v27  }
0xc5: {  	v57 =	vmul.f32 v29, v29;
	v9 =	vsub.f32 v9, v31;
	v10 =	vsub.f32 v10, v31  }
0xc6: {  	v55 =	vmul.f32 v59, v59;
	v11 =	vsub.f32 v11, v31;
	v26 =	vadd.f32 $9.999999740e-06, v27  }
0xc7: {  	v31 =	vsub.f32 v18, v61;
	v48 =	vmul.f32 v28, v28;
	v39 =	vmul.f32 v16, v16  }
0xc8: {  	v51 =	vmul.f32 v8, v8;
	v47 =	vmul.f32 v9, v9;
	v27 =	vshra.s32 v26, $0x1  }
0xc9: {  	v53 =	vmul.f32 v10, v10;
	v54 =	vmul.f32 v11, v11;
	v27 =	vsub.s32 $0x5F3759DF, v27  }
0xca: {  	v12 =	vsub.f32 v42, v43;
	v50 =	vmul.f32 $-5.000000000e-01, v26;
	v30 =	vmul.f32 v27, v27  }
0xcb: {  	v42 =	vmul.f32 v31, v31;
	v34 =	vadd.f32 v57, v48;
	v26 =	vsub.f32 v13, v60  }
0xcc: {  	v57 =	vmul.f32 v35, v35;
	v41 =	vadd.f32 v47, v51;
	v15 =	vmul.f32 v30, v50  }
0xcd: {  	v13 =	vsub.f32 v38, v63;
	v38 =	vadd.f32 v54, v53;
	v25 =	vmul.f32 v26, v26  }
0xce: {  	v63 =	vmul.f32 v32, v32;
	v53 =	vmul.f32 v33, v33;
	v15 =	vadd.f32 $1.500000000e+00, v15  }
0xcf: {  	v54 =	vmul.f32 v5, v5;
	v30 =	vsub.f32 v17, v61;
	v25 =	vadd.f32 v25, v55  }
0xd0: {  	v42 =	vadd.f32 v63, v42;
	v38 =	vadd.f32 v38, v41;
	v6 =	vmul.f32 v27, v15  }
0xd1: {  	v55 =	vmul.f32 v52, v52;
	v61 =	vmul.f32 v30, v30;
	v34 =	vadd.f32 v34, v25  }
0xd2: {  	v27 =	vsub.f32 v23, v62;
	v15 =	vsub.f32 v24, v62;
	v14 =	vmul.f32 v6, v6  }
0xd3: {  	v41 =	vperm.xlane v38, v0;
	v24 =	vsub.f32 v37, v62;
	v62 =	vsub.f32 v46, v43  }
0xd4: {  	[tilespmem:$0x1FF60] =	vst v7;
	v39 =	vadd.f32 v61, v39;
	v61 =	vmul.f32 v27, v27;
	v7 =	vmul.f32 v14, v50  }
0xd5: {  	v63 =	vmul.f32 v15, v15;
	v14 =	vsub.f32 v44, v43;
	v43 =	vsub.f32 v45, v43  }
0xd6: {  	v45 =	vadd.f32 v55, v53;
	v55 =	vmul.f32 v24, v24;
	v60 =	vadd.f32 $1.500000000e+00, v7  }
0xd7: {  	v38 =	vadd.f32 v38, v41;
	v40 =	vadd.f32 v63, v61;
	v61 =	vmul.f32 v12, v12  }
0xd8: {  	v46 =	vadd.f32 v55, v54;
	v63 =	vmul.f32 v14, v14;
	v6 =	vmul.f32 v60, v6  }
0xd9: {  	v39 =	vadd.f32 v42, v39;
	v54 =	vmul.f32 v62, v62;
	v60 =	vmul.f32 v36, v36  }
0xda: {  	v55 =	vmul.f32 v43, v43;
	v40 =	vadd.f32 v46, v40;
	v56 =	vmul.f32 v6, v6  }
0xdb: {  	v37 =	vadd.f32 v60, v57;
	v57 =	vmul.f32 v21, v21;
	v60 =	vmul.f32 v20, v20  }
0xdc: {  	v49 =	vadd.f32 v63, v61;
	v61 =	vperm.xlane v40, v0;
	v47 =	vmul.f32 v56, v50  }
0xdd: {  	v50 =	vmul.f32 v13, v13;
	v56 =	vmul.f32 v22, v22;
	v44 =	vadd.f32 v60, v57  }
0xde: {  	v37 =	vadd.f32 v37, v45;
	v57 =	vperm.xlane v39, v0;
	v40 =	vadd.f32 v40, v61  }
0xdf: {  	v47 =	vadd.f32 $1.500000000e+00, v47;
	v48 =	vadd.f32 v56, v50;
	v56 =	vperm.xlane v34, v0  }
0xe0: {  	v60 =	vperm.xlane v37, v0;
	v39 =	vadd.f32 v39, v57;
	v53 =	vperm.xlane v40, v2  }
0xe1: {  	v25 =	vmul.f32 v47, v6;
	v6 =	vadd.f32 v55, v54;
	v44 =	vadd.f32 v44, v48  }
0xe2: {  	v34 =	vadd.f32 v34, v56;
	v37 =	vadd.f32 v37, v60  }
0xe3: {  	v51 =	vperm.xlane v39, v2;
	v40 =	vadd.f32 v40, v53;
	v63 =	vperm.xlane v44, v0  }
0xe4: {  	v6 =	vadd.f32 v6, v49;
	v49 =	vperm.xlane v38, v2;
	v50 =	vperm.xlane v34, v2  }
0xe5: {  	v46 =	vperm.xlane v37, v2;
	v39 =	vadd.f32 v39, v51;
	v44 =	vadd.f32 v44, v63  }
0xe6: {  	v48 =	vperm.xlane v6, v0;
	v38 =	vadd.f32 v38, v49;
	v34 =	vadd.f32 v34, v50  }
0xe7: {  	v37 =	vadd.f32 v37, v46;
	v61 =	vperm.xlane v39, v3;
	v54 =	vperm.xlane v44, v2  }
0xe8: {  	v6 =	vadd.f32 v6, v48;
	v56 =	vperm.xlane v38, v3;
	v60 =	vperm.xlane v34, v3  }
0xe9: {  	v63 =	vperm.xlane v37, v3;
	v48 =	vperm.xlane v40, v3;
	v39 =	vadd.f32 v39, v61  }
0xea: {  	v55 =	vperm.xlane v6, v2;
	v57 =	vadd.f32 v44, v54;
	v38 =	vadd.f32 v38, v56  }
0xeb: {  	v34 =	vadd.f32 v34, v60;
	v37 =	vadd.f32 v37, v63;
	v54 =	vperm.xlane v39, v1  }
0xec: {  	v40 =	vadd.f32 v40, v48;
	v49 =	vperm.xlane v57, v3;
	v51 =	vperm.xlane v38, v1  }
0xed: {  	v6 =	vadd.f32 v6, v55;
	v53 =	vperm.xlane v34, v1;
	v55 =	vperm.xlane v37, v1  }
0xee: {  	v56 =	vperm.xlane v40, v1;
	v39 =	vadd.f32 v39, v54;
	v41 =	vadd.f32 v57, v49  }
0xef: {  	v50 =	vperm.xlane v6, v3;
	v38 =	vadd.f32 v38, v51;
	v34 =	vadd.f32 v34, v53  }
0xf0: {  	v37 =	vadd.f32 v37, v55;
	v40 =	vadd.f32 v40, v56;
	v39 =	vmul.f32 $1.562500000e-02, v39  }
0xf1: {  	v6 =	vadd.f32 v6, v50;
	v57 =	vperm.xlane v41, v1;
	v38 =	vmul.f32 $1.562500000e-02, v38  }
0xf2: {  	v34 =	vmul.f32 $1.562500000e-02, v34;
	v37 =	vmul.f32 $1.562500000e-02, v37;
	v39 =	vadd.f32 $9.999999740e-06, v39  }
0xf3: {  	v40 =	vmul.f32 $1.562500000e-02, v40;
	v41 =	vadd.f32 v41, v57;
	v38 =	vadd.f32 $9.999999740e-06, v38  }
0xf4: {  	v60 =	vperm.xlane v6, v1;
	v34 =	vadd.f32 $9.999999740e-06, v34;
	v37 =	vadd.f32 $9.999999740e-06, v37  }
0xf5: {  	v40 =	vadd.f32 $9.999999740e-06, v40;
	v53 =	vshra.s32 v39, $0x1;
	v39 =	vmul.f32 $-5.000000000e-01, v39  }
0xf6: {  	v45 =	vsub.s32 $0x5F3759DF, v53;
	v6 =	vadd.f32 v6, v60;
	v41 =	vmul.f32 $1.562500000e-02, v41  }
0xf7: {  	v61 =	vshra.s32 v38, $0x1;
	v63 =	vshra.s32 v34, $0x1;
	v54 =	vshra.s32 v37, $0x1  }
0xf8: {  	v55 =	vshra.s32 v40, $0x1;
	v38 =	vmul.f32 $-5.000000000e-01, v38;
	v34 =	vmul.f32 $-5.000000000e-01, v34  }
0xf9: {  	v37 =	vmul.f32 $-5.000000000e-01, v37;
	v40 =	vmul.f32 $-5.000000000e-01, v40;
	v42 =	vsub.s32 $0x5F3759DF, v61  }
0xfa: {  	v44 =	vsub.s32 $0x5F3759DF, v63;
	v46 =	vsub.s32 $0x5F3759DF, v54;
	v61 =	vmul.f32 v45, v45  }
0xfb: {  	v6 =	vmul.f32 $1.562500000e-02, v6;
	v41 =	vadd.f32 $9.999999740e-06, v41;
	v56 =	vmul.f32 v42, v42  }
0xfc: {  	v47 =	vsub.s32 $0x5F3759DF, v55;
	v51 =	vmul.f32 v44, v44;
	v63 =	vmul.f32 v46, v46  }
0xfd: {  	v6 =	vadd.f32 $9.999999740e-06, v6;
	v57 =	vshra.s32 v41, $0x1;
	v48 =	vmul.f32 v56, v38  }
0xfe: {  	v41 =	vmul.f32 $-5.000000000e-01, v41;
	v51 =	vmul.f32 v51, v34;
	v49 =	vsub.s32 $0x5F3759DF, v57  }
0xff: {  	v60 =	vshra.s32 v6, $0x1;
	v56 =	vmul.f32 v49, v49;
	v57 =	vmul.f32 $-5.000000000e-01, v6  }
0x100: {  	v48 =	vadd.f32 $1.500000000e+00, v48;
	v6 =	vmul.f32 v61, v39;
	v61 =	vmul.f32 v63, v37  }
0x101: {  	v51 =	vadd.f32 $1.500000000e+00, v51;
	v50 =	vsub.s32 $0x5F3759DF, v60;
	v60 =	vmul.f32 v47, v47  }
0x102: {  	v42 =	vmul.f32 v42, v48;
	v48 =	vmul.f32 v50, v50;
	v6 =	vadd.f32 $1.500000000e+00, v6  }
0x103: {  	v53 =	vadd.f32 $1.500000000e+00, v61;
	v44 =	vmul.f32 v44, v51;
	v63 =	vmul.f32 v60, v40  }
0x104: {  	v60 =	vmul.f32 v56, v41;
	v6 =	vmul.f32 v45, v6  }
0x105: {  	v48 =	vmul.f32 v48, v57;
	v46 =	vmul.f32 v46, v53;
	v61 =	vadd.f32 $1.500000000e+00, v63  }
0x106: {  	v63 =	vadd.f32 $1.500000000e+00, v60;
	v60 =	vmul.f32 v42, v42;
	v51 =	vmul.f32 v6, v6  }
0x107: {  	v48 =	vadd.f32 $1.500000000e+00, v48;
	v53 =	vmul.f32 v46, v46;
	v47 =	vmul.f32 v47, v61  }
0x108: {  	v49 =	vmul.f32 v49, v63;
	v45 =	vmul.f32 v60, v38  }
0x109: {  	v48 =	vmul.f32 v50, v48;
	v61 =	vmul.f32 v47, v47  }
0x10a: {  	v23 =	vmovc v1;
	v1 =	vmov v0;
	v0 =	vld [tilespmem:$0x10280];
	v51 =	vmul.f32 v51, v39;
	v63 =	vmul.f32 v49, v49  }
0x10b: {  	v50 =	vmul.f32 v44, v44;
	v54 =	vmul.f32 v61, v40  }
0x10c: {  	v45 =	vadd.f32 $1.500000000e+00, v45;
	v51 =	vadd.f32 $1.500000000e+00, v51;
	v55 =	vmul.f32 v63, v41  }
0x10d: {  	v53 =	vmul.f32 v53, v37;
	v50 =	vmul.f32 v50, v34;
	v54 =	vadd.f32 $1.500000000e+00, v54  }
0x10e: {  	v42 =	vmul.f32 v45, v42;
	v61 =	vmul.f32 v51, v6;
	v6 =	vadd.f32 $1.500000000e+00, v55  }
0x10f: {  	[tilespmem:$0x1FFB0] =	vst v0;
	v0 =	vld [tilespmem:$0x10290];
	v60 =	vmul.f32 v48, v48;
	v50 =	vadd.f32 $1.500000000e+00, v50;
	v47 =	vmul.f32 v54, v47  }
0x110: {  	v49 =	vmul.f32 v6, v49;
	v6 =	vmul.f32 v42, v42  }
0x111: {  	v7 =	vld [tilespmem:$0x10230];
	v53 =	vadd.f32 $1.500000000e+00, v53;
	v45 =	vmul.f32 v60, v57;
	v44 =	vmul.f32 v50, v44  }
0x112: {  	v38 =	vmul.f32 v6, v38;
	v6 =	vmul.f32 v47, v47  }
0x113: {  	v46 =	vmul.f32 v53, v46;
	v63 =	vmul.f32 v44, v44  }
0x114: {  	[tilespmem:$0x1FFC0] =	vst v0;
	v0 =	vld [tilespmem:$0x102A0];
	v40 =	vmul.f32 v6, v40;
	v6 =	vmul.f32 v25, v58  }
0x115: {  	v45 =	vadd.f32 $1.500000000e+00, v45;
	v51 =	vmul.f32 v61, v61;
	v53 =	vmul.f32 v46, v46  }
0x116: {  	[tilespmem:$0x1FF70] =	vst v7;
	v34 =	vmul.f32 v63, v34;
	v63 =	vmul.f32 v6, v7;
	v7 =	vld [tilespmem:$0x10200]  }
0x117: {  	v45 =	vmul.f32 v45, v48;
	v39 =	vmul.f32 v51, v39  }
0x118: {  	v37 =	vmul.f32 v53, v37;
	v54 =	vmul.f32 v49, v49  }
0x119: {  	[tilespmem:$0x1FFE0] =	vst v0;
	v0 =	vmul.f32 v25, v4;
	v55 =	vmul.f32 v45, v45;
	v56 =	vadd.f32 $1.500000000e+00, v39  }
0x11a: {  	v37 =	vadd.f32 $1.500000000e+00, v37;
	v38 =	vadd.f32 $1.500000000e+00, v38;
	v41 =	vmul.f32 v54, v41  }
0x11b: {  	v48 =	vmul.f32 v55, v57;
	v34 =	vadd.f32 $1.500000000e+00, v34;
	v58 =	vmul.f32 v56, v61;
	[tilespmem:$0x1FF80] =	vst v7;
	v7 =	vld [tilespmem:$0x10210]  }
0x11c: {  	v60 =	vmul.f32 v37, v46;
	v42 =	vmul.f32 v38, v42  }
0x11d: {  	v57 =	vadd.f32 $1.500000000e+00, v40;
	v44 =	vmul.f32 v34, v44;
	v6 =	vadd.f32 $1.500000000e+00, v48  }
0x11e: {  	v61 =	vadd.f32 $1.500000000e+00, v41;
	v41 =	vmul.f32 v58, v31;
	v40 =	vmul.f32 v58, v32  }
0x11f: {  	v33 =	vmul.f32 v60, v33;
	v37 =	vmul.f32 v6, v45;
	v6 =	vld [tilespmem:$0x102B0]  }
0x120: {  	v32 =	vmul.f32 v60, v52;
	v31 =	vmul.f32 v60, v35;
	[tilespmem:$0x1FF90] =	vst v7;
	v7 =	vld [tilespmem:$0x10220]  }
0x121: {  	v39 =	vmul.f32 v57, v47;
	v38 =	vmul.f32 v61, v49  }
0x122: {  	v49 =	vmul.f32 v42, v8;
	v51 =	vmul.f32 v42, v9  }
0x123: {  	v34 =	vmul.f32 v42, v10;
	v50 =	vmul.f32 v42, v11  }
0x124: {  	v42 =	vmul.f32 v58, v30;
	v47 =	vmul.f32 v44, v26;
	[tilespmem:$0x1FFD0] =	vst v6;
	v26 =	vadd.f32 v63, v6  }
0x125: {  	v48 =	vmul.f32 v44, v59;
	v46 =	vmul.f32 v44, v28;
	[tilespmem:$0x1FFA0] =	vst v7  }
0x126: {  	v45 =	vmul.f32 v44, v29;
	v44 =	vmul.f32 v58, v16;
	[tilespmem:s15+$0x1B0] =	vst v26  }
0x127: {  	s16 =	simm.s32 $0x0;
	s17 =	simm.s32 $0x800;
	v28 =	vmul.f32 v60, v36;
	v29 =	vmul.f32 v39, v27;
	[tilespmem:$0x1FFF0] =	vst v0  }
.LBB2_4:
0x128: {  	v27 =	vld [tilespmem:s17+$0x180]  }
0x129: {  	v53 =	vld [tilespmem:s17+$0x190]  }
0x12a: {  	v52 =	vld [tilespmem:s17+$0x1A0]  }
0x12b: {  	v54 =	vld [tilespmem:s17+$0x1B0]  }
0x12c: {  	v0 =	vld [tilespmem:s17+$0xFFFFFE10]  }
0x12d: {  	v4 =	vld [tilespmem:s17+$0xFFFFFE20]  }
0x12e: {  	v35 =	vmul.f32 v39, v5;
	v5 =	vld [tilespmem:$0x1FF50]  }
0x12f: {  	v8 =	vld [tilespmem:$0x1FF80]  }
0x130: {  	v30 =	vmul.f32 v39, v15;
	v15 =	vld [tilespmem:s17+$0xFFFFFE90]  }
0x131: {  	v10 =	vld [tilespmem:$0x1FF70]  }
0x132: {  	v60 =	vmul.f32 v37, v12;
	v12 =	vld [tilespmem:$0x1FF90]  }
0x133: {  	v36 =	vmul.f32 v39, v24;
	v18 =	vld [tilespmem:s17+$0xFFFFFEA0];
	v39 =	vmul.f32 v38, v13  }
0x134: {  	v58 =	vmul.f32 v38, v22;
	v59 =	vmul.f32 v38, v21;
	v13 =	vld [tilespmem:$0x1FFA0]  }
0x135: {  	v61 =	vmul.f32 v37, v14;
	v62 =	vmul.f32 v37, v62;
	[tilespmem:$0x1FE00] =	vst v0;
	v0 =	vld [tilespmem:s17+$0xFFFFFE30]  }
0x136: {  	v63 =	vmul.f32 v37, v43;
	v37 =	vmul.f32 v50, v10;
	v50 =	vld [tilespmem:$0x1FFB0]  }
0x137: {  	v16 =	vld [tilespmem:s17+$0xFFFFFEB0];
	v38 =	vmul.f32 v38, v20;
	v6 =	vmul.f32 v30, v12  }
0x138: {  	v55 =	vmul.f32 v25, v5;
	v19 =	vmul.f32 v49, v8;
	v5 =	vld [tilespmem:$0x1FF60]  }
0x139: {  	v17 =	vld [tilespmem:s17+$0xFFFFFF30];
	v20 =	vadd.f32 v53, v27;
	v21 =	vadd.f32 v54, v52;
	[tilespmem:$0x1FE60] =	vst v6;
	v6 =	vmul.f32 v35, v13  }
0x13a: {  	v14 =	vld [tilespmem:s17+$0xFFFFFE80];
	v43 =	vmul.f32 v48, v8;
	v57 =	vadd.f32 v0, v4;
	v48 =	vmovc v0;
	v0 =	vmul.f32 v33, v8  }
0x13b: {  	v49 =	vmul.f32 v45, v10;
	v30 =	vld [tilespmem:s17+$0x0];
	v22 =	vadd.f32 v19, v50;
	[tilespmem:$0x1FE70] =	vst v6  }
0x13c: {  	v34 =	vmul.f32 v34, v13;
	v24 =	vadd.f32 v21, v20;
	v19 =	vld [tilespmem:$0x1FFC0];
	[tilespmem:$0x1FE10] =	vst v0;
	v0 =	vmul.f32 v32, v12  }
0x13d: {  	v20 =	vld [tilespmem:s17+$0xFFFFFF00];
	v56 =	vmul.f32 v25, v5;
	v6 =	vmul.f32 v36, v10;
	[tilespmem:s15+$0xFFFFFE00] =	vst v22  }
0x13e: {  	v21 =	vld [tilespmem:s17+$0xFFFFFF10];
	v25 =	vperm.xlane v24, v1;
	[tilespmem:$0x1FE20] =	vst v0;
	v0 =	vmul.f32 v31, v13  }
0x13f: {  	v5 =	vmul.f32 v51, v12;
	v22 =	vld [tilespmem:s17+$0xFFFFFF20];
	[tilespmem:$0x1FE80] =	vst v6;
	v6 =	vmul.f32 v39, v8  }
0x140: {  	v26 =	vmul.f32 v47, v12;
	v11 =	vadd.f32 v24, v25;
	v24 =	vld [tilespmem:s17+$0xFFFFFF80];
	[tilespmem:$0x1FE30] =	vst v0;
	v0 =	vmul.f32 v28, v10  }
0x141: {  	v47 =	vmul.f32 v42, v12;
	v45 =	vmul.f32 v41, v13;
	v25 =	vld [tilespmem:s17+$0xFFFFFF90];
	[tilespmem:$0x1FE90] =	vst v6;
	v5 =	vadd.f32 v5, v19  }
0x142: {  	v9 =	vadd.f32 v15, v14;
	v32 =	vld [tilespmem:s17+$0x10];
	v31 =	vperm.xlane v11, v2;
	[tilespmem:$0x1FE40] =	vst v0;
	v0 =	vmul.f32 v29, v8  }
0x143: {  	v51 =	vmul.f32 v46, v13;
	v43 =	vadd.f32 v43, v50;
	v6 =	vmul.f32 v58, v12;
	v28 =	vld [tilespmem:s17+$0xFFFFFFA0];
	[tilespmem:s15+$0xFFFFFE10] =	vst v5  }
0x144: {  	v46 =	vmul.f32 v40, v10;
	v31 =	vadd.f32 v11, v31;
	v5 =	vadd.f32 v16, v18;
	[tilespmem:$0x1FE50] =	vst v0;
	v0 =	vld [tilespmem:$0x1FFE0]  }
0x145: {  	v41 =	vadd.f32 v21, v20;
	v26 =	vadd.f32 v26, v19;
	[tilespmem:$0x1FEA0] =	vst v6;
	v11 =	vld [tilespmem:$0x1FFD0];
	v6 =	vmul.f32 v59, v13  }
0x146: {  	v42 =	vadd.f32 v17, v22;
	v29 =	vld [tilespmem:s17+$0xFFFFFFB0];
	v58 =	vperm.xlane v31, v3;
	v5 =	vadd.f32 v5, v9  }
0x147: {  	v47 =	vadd.f32 v47, v19;
	v59 =	vadd.f32 v25, v24;
	[tilespmem:$0x1FEB0] =	vst v6;
	v6 =	vmul.f32 v38, v10  }
0x148: {  	v33 =	vld [tilespmem:s17+$0x20];
	[tilespmem:s15+$0xFFFFFE80] =	vst v43;
	v39 =	vadd.f32 v42, v41;
	v31 =	vadd.f32 v31, v58;
	v35 =	vperm.xlane v5, v1  }
0x149: {  	v9 =	vadd.f32 v32, v30;
	[tilespmem:$0x1FEC0] =	vst v6;
	v6 =	vmul.f32 v60, v8;
	v40 =	vadd.f32 v34, v0;
	v34 =	vld [tilespmem:s17+$0x30]  }
0x14a: {  	v36 =	vld [tilespmem:s17+$0x90];
	[tilespmem:s15+$0xFFFFFE90] =	vst v26;
	v37 =	vadd.f32 v37, v11;
	v42 =	vperm.xlane v31, v23;
	v5 =	vadd.f32 v5, v35  }
0x14b: {  	[tilespmem:s15+$0xFFFFFF10] =	vst v47;
	v47 =	vld [tilespmem:$0x1FE20];
	v38 =	vperm.xlane v39, v1;
	v49 =	vadd.f32 v49, v11;
	v60 =	vadd.f32 v29, v28  }
0x14c: {  	[tilespmem:$0x1FED0] =	vst v6;
	v6 =	vmul.f32 v61, v12;
	v35 =	vld [tilespmem:s17+$0x80];
	v31 =	vadd.f32 v31, v42;
	v41 =	vperm.xlane v5, v2  }
0x14d: {  	[tilespmem:s15+$0xFFFFFE30] =	vst v37;
	v42 =	vld [tilespmem:s17+$0x120];
	v58 =	vadd.f32 v60, v59;
	v60 =	vadd.f32 v39, v38  }
0x14e: {  	v56 =	vmul.f32 v56, v13;
	[tilespmem:$0x1FEE0] =	vst v6;
	v39 =	vld [tilespmem:s17+$0x110];
	v61 =	vadd.f32 v5, v41;
	v5 =	vadd.f32 v34, v33  }
0x14f: {  	v12 =	vmul.f32 v55, v12;
	v6 =	vmul.f32 v62, v13;
	[tilespmem:s15+$0xFFFFFE20] =	vst v40;
	v40 =	vld [tilespmem:s17+$0x100]  }
0x150: {  	[tilespmem:s15+$0xFFFFFEB0] =	vst v49;
	v49 =	vadd.f32 v45, v0;
	v43 =	vmul.f32 $1.562500000e-02, v31;
	v59 =	vadd.f32 v5, v9;
	v9 =	vld [tilespmem:$0x1FFF0]  }
0x151: {  	v46 =	vadd.f32 v46, v11;
	[tilespmem:$0x1FEF0] =	vst v6;
	v6 =	vmul.f32 v63, v10;
	v62 =	vperm.xlane v58, v1;
	v41 =	vld [tilespmem:s17+$0x130]  }
0x152: {  	v37 =	vld [tilespmem:s17+$0xA0];
	v63 =	vperm.xlane v60, v2;
	[tilespmem:s15+$0xFFFFFF20] =	vst v49;
	v49 =	vadd.f32 v47, v19;
	v31 =	vsub.f32 v27, v43  }
0x153: {  	v38 =	vld [tilespmem:s17+$0xB0];
	[tilespmem:$0x1FF00] =	vst v6;
	v7 =	vsub.f32 v53, v43;
	v26 =	vsub.f32 v54, v43;
	v6 =	vperm.xlane v61, v3  }
0x154: {  	v44 =	vmul.f32 v44, v8;
	[tilespmem:$0x1FF30] =	vst v56;
	v58 =	vadd.f32 v58, v62;
	v56 =	vadd.f32 v60, v63  }
0x155: {  	[tilespmem:$0x1FF20] =	vst v12;
	v12 =	vld [tilespmem:$0x1FE00];
	v54 =	vmul.f32 v7, v7;
	v6 =	vadd.f32 v61, v6;
	v8 =	vmul.f32 v9, v8  }
0x156: {  	v27 =	vld [tilespmem:s17+$0xFFFFFE00];
	[tilespmem:$0x1FF50] =	vst v7;
	v55 =	vperm.xlane v58, v2;
	v7 =	vadd.f32 v39, v40;
	v62 =	vadd.f32 v41, v42  }
0x157: {  	v5 =	vadd.f32 v36, v35;
	v53 =	vperm.xlane v59, v1;
	[tilespmem:$0x1FF10] =	vst v8;
	v8 =	vsub.f32 v52, v43  }
0x158: {  	v7 =	vadd.f32 v62, v7;
	v43 =	vadd.f32 v38, v37;
	v52 =	vmul.f32 v31, v31  }
0x159: {  	v55 =	vadd.f32 v58, v55;
	v9 =	vmul.f32 v26, v26;
	[tilespmem:$0x1FF60] =	vst v8;
	v8 =	vmul.f32 v8, v8  }
0x15a: {  	v47 =	vld [tilespmem:$0x1FE30];
	v62 =	vperm.xlane v7, v1;
	v5 =	vadd.f32 v43, v5;
	v43 =	vadd.f32 v54, v52  }
0x15b: {  	v8 =	vadd.f32 v9, v8;
	v9 =	vadd.f32 v12, v27  }
0x15c: {  	v53 =	vadd.f32 v59, v53;
	v7 =	vadd.f32 v7, v62;
	v52 =	vperm.xlane v5, v1  }
0x15d: {  	v61 =	vperm.xlane v55, v3;
	v8 =	vadd.f32 v8, v43;
	v9 =	vadd.f32 v57, v9  }
0x15e: {  	v43 =	vperm.xlane v53, v2;
	v5 =	vadd.f32 v5, v52;
	v57 =	vperm.xlane v7, v2  }
0x15f: {  	[tilespmem:s15+$0xFFFFFF90] =	vst v49;
	v49 =	vadd.f32 v47, v0;
	v52 =	vperm.xlane v8, v1;
	v54 =	vperm.xlane v9, v1  }
0x160: {  	v63 =	vperm.xlane v5, v2;
	v43 =	vadd.f32 v53, v43;
	v7 =	vadd.f32 v7, v57  }
0x161: {  	v8 =	vadd.f32 v8, v52;
	v9 =	vadd.f32 v9, v54;
	v52 =	vperm.xlane v56, v3  }
0x162: {  	v5 =	vadd.f32 v5, v63;
	v62 =	vperm.xlane v43, v3;
	v57 =	vperm.xlane v7, v3  }
0x163: {  	v47 =	vld [tilespmem:$0x1FE50];
	v60 =	vperm.xlane v8, v2;
	v54 =	vperm.xlane v9, v2;
	v52 =	vadd.f32 v56, v52  }
0x164: {  	v63 =	vperm.xlane v5, v3;
	v43 =	vadd.f32 v43, v62;
	v7 =	vadd.f32 v7, v57  }
0x165: {  	v62 =	vperm.xlane v6, v23;
	v8 =	vadd.f32 v8, v60;
	v9 =	vadd.f32 v9, v54  }
0x166: {  	v54 =	vadd.f32 v55, v61;
	v5 =	vadd.f32 v5, v63;
	v63 =	vperm.xlane v52, v23  }
0x167: {  	v6 =	vadd.f32 v6, v62;
	v62 =	vperm.xlane v43, v23;
	v59 =	vperm.xlane v7, v23  }
0x168: {  	[tilespmem:s15+$0xFFFFFFA0] =	vst v49;
	v49 =	vadd.f32 v47, v50;
	v60 =	vperm.xlane v8, v3;
	v61 =	vperm.xlane v9, v3  }
0x169: {  	v55 =	vperm.xlane v54, v23;
	v52 =	vadd.f32 v52, v63;
	v43 =	vadd.f32 v43, v62  }
0x16a: {  	v63 =	vperm.xlane v5, v23;
	v7 =	vadd.f32 v7, v59;
	v8 =	vadd.f32 v8, v60  }
0x16b: {  	v6 =	vmul.f32 $1.562500000e-02, v6;
	v9 =	vadd.f32 v9, v61;
	v54 =	vadd.f32 v54, v55  }
0x16c: {  	v5 =	vadd.f32 v5, v63;
	v62 =	vmul.f32 $1.562500000e-02, v52;
	v60 =	vperm.xlane v8, v23  }
0x16d: {  	v57 =	vsub.f32 v15, v6;
	v58 =	vsub.f32 v16, v6;
	v61 =	vperm.xlane v9, v23  }
0x16e: {  	v43 =	vmul.f32 $1.562500000e-02, v43;
	v59 =	vsub.f32 v21, v62;
	v8 =	vadd.f32 v8, v60  }
0x16f: {  	v52 =	vmul.f32 $1.562500000e-02, v54;
	v63 =	vsub.f32 v22, v62;
	v9 =	vadd.f32 v9, v61  }
0x170: {  	v60 =	vsub.f32 v18, v6;
	v61 =	vsub.f32 v20, v62;
	v8 =	vmul.f32 $1.562500000e-02, v8  }
0x171: {  	v53 =	vsub.f32 v24, v52;
	v28 =	vsub.f32 v28, v52;
	v9 =	vmul.f32 $1.562500000e-02, v9  }
0x172: {  	v29 =	vsub.f32 v29, v52;
	v8 =	vadd.f32 $9.999999740e-06, v8  }
0x173: {  	v5 =	vmul.f32 $1.562500000e-02, v5;
	v24 =	vsub.f32 v34, v43;
	v54 =	vsub.f32 v27, v9  }
0x174: {  	v55 =	vsub.f32 v12, v9;
	v56 =	vsub.f32 v4, v9;
	v4 =	vshra.s32 v8, $0x1  }
0x175: {  	v48 =	vsub.f32 v48, v9;
	v9 =	vsub.f32 v14, v6;
	v14 =	vsub.s32 $0x5F3759DF, v4  }
0x176: {  	v13 =	vsub.f32 v35, v5;
	v8 =	vmul.f32 $-5.000000000e-01, v8;
	v4 =	vmul.f32 v14, v14  }
0x177: {  	v7 =	vmul.f32 $1.562500000e-02, v7;
	v22 =	vsub.f32 v36, v5;
	v21 =	vsub.f32 v37, v5  }
0x178: {  	v20 =	vsub.f32 v38, v5;
	v35 =	vmul.f32 v58, v58;
	v6 =	vmul.f32 v4, v8  }
0x179: {  	v5 =	vsub.f32 v39, v7;
	v34 =	vmul.f32 v60, v60;
	v36 =	vmul.f32 v28, v28  }
0x17a: {  	v39 =	vmul.f32 v24, v24;
	v27 =	vsub.f32 v25, v52;
	v6 =	vadd.f32 $1.500000000e+00, v6  }
0x17b: {  	v12 =	vsub.f32 v40, v7;
	v52 =	vmul.f32 v59, v59;
	v40 =	vmul.f32 v53, v53  }
0x17c: {  	v30 =	vsub.f32 v30, v43;
	v15 =	vmul.f32 v54, v54;
	v6 =	vmul.f32 v14, v6  }
0x17d: {  	v62 =	vsub.f32 v17, v62;
	v16 =	vmul.f32 v55, v55;
	v25 =	vmul.f32 v9, v9  }
0x17e: {  	[tilespmem:$0x1FF40] =	vst v9;
	v9 =	vsub.f32 v33, v43;
	v4 =	vsub.f32 v32, v43;
	v43 =	vmul.f32 v6, v6  }
0x17f: {  	v17 =	vmul.f32 v56, v56;
	v15 =	vadd.f32 v16, v15;
	v16 =	vmul.f32 v61, v61  }
0x180: {  	v34 =	vadd.f32 v35, v34;
	v18 =	vmul.f32 v48, v48;
	v32 =	vmul.f32 v43, v8  }
0x181: {  	v33 =	vmul.f32 v57, v57;
	v16 =	vadd.f32 v52, v16;
	v52 =	vmul.f32 v29, v29  }
0x182: {  	v17 =	vadd.f32 v18, v17;
	v18 =	vmul.f32 v63, v63;
	v32 =	vadd.f32 $1.500000000e+00, v32  }
0x183: {  	v37 =	vmul.f32 v9, v9;
	v36 =	vadd.f32 v52, v36;
	v52 =	vmul.f32 v22, v22  }
0x184: {  	v43 =	vsub.f32 v41, v7;
	v41 =	vmul.f32 v27, v27;
	v6 =	vmul.f32 v32, v6  }
0x185: {  	v14 =	vsub.f32 v42, v7;
	v32 =	vadd.f32 v33, v25;
	v25 =	vmul.f32 v62, v62  }
0x186: {  	v33 =	vadd.f32 v41, v40;
	v40 =	vmul.f32 v13, v13;
	v42 =	vmul.f32 v6, v6  }
0x187: {  	v15 =	vadd.f32 v17, v15;
	v35 =	vmul.f32 v4, v4;
	v41 =	vmul.f32 v21, v21  }
0x188: {  	v18 =	vadd.f32 v25, v18;
	v38 =	vadd.f32 v52, v40;
	v8 =	vmul.f32 v42, v8  }
0x189: {  	v25 =	vmul.f32 v30, v30;
	v17 =	vadd.f32 v34, v32;
	v32 =	vadd.f32 v36, v33  }
0x18a: {  	v52 =	vmul.f32 v14, v14;
	v42 =	vmul.f32 v20, v20;
	v8 =	vadd.f32 $1.500000000e+00, v8  }
0x18b: {  	v35 =	vadd.f32 v35, v25;
	v16 =	vadd.f32 v18, v16;
	v36 =	vperm.xlane v32, v1  }
0x18c: {  	v40 =	vadd.f32 v42, v41;
	v42 =	vmul.f32 v43, v43;
	v25 =	vmul.f32 v8, v6  }
0x18d: {  	v6 =	vadd.f32 v39, v37;
	v8 =	vmul.f32 v12, v12;
	v37 =	vmul.f32 v5, v5  }
0x18e: {  	v32 =	vadd.f32 v32, v36;
	v18 =	vadd.f32 v42, v52;
	v52 =	vperm.xlane v17, v1  }
0x18f: {  	v41 =	vadd.f32 v40, v38;
	v26 =	vmul.f32 v25, v26;
	v8 =	vadd.f32 v37, v8  }
0x190: {  	v7 =	vmul.f32 v25, v31;
	v31 =	vperm.xlane v15, v1;
	v6 =	vadd.f32 v6, v35  }
0x191: {  	v42 =	vperm.xlane v16, v1;
	v26 =	vmul.f32 v26, v10;
	v8 =	vadd.f32 v18, v8  }
0x192: {  	v17 =	vadd.f32 v17, v52;
	v15 =	vadd.f32 v15, v31;
	v18 =	vperm.xlane v6, v1  }
0x193: {  	v16 =	vadd.f32 v16, v42;
	v26 =	vadd.f32 v26, v11;
	v31 =	vperm.xlane v8, v1  }
0x194: {  	v52 =	vperm.xlane v15, v2;
	v6 =	vadd.f32 v6, v18;
	v18 =	vperm.xlane v17, v2  }
0x195: {  	[tilespmem:s17+$0x1B0] =	vst v26;
	v26 =	vperm.xlane v41, v1;
	v8 =	vadd.f32 v8, v31;
	v31 =	vperm.xlane v16, v2  }
0x196: {  	v37 =	vperm.xlane v32, v2;
	v15 =	vadd.f32 v15, v52;
	v17 =	vadd.f32 v17, v18  }
0x197: {  	v18 =	vperm.xlane v6, v2;
	v26 =	vadd.f32 v41, v26;
	v16 =	vadd.f32 v16, v31  }
0x198: {  	v31 =	vadd.f32 v32, v37;
	v38 =	vperm.xlane v8, v2;
	v39 =	vperm.xlane v15, v3  }
0x199: {  	v10 =	vadd.f32 v51, v0;
	v6 =	vadd.f32 v6, v18;
	v34 =	vperm.xlane v26, v2  }
0x19a: {  	v8 =	vadd.f32 v8, v38;
	v15 =	vadd.f32 v15, v39;
	v40 =	vperm.xlane v31, v3  }
0x19b: {  	v41 =	vperm.xlane v6, v3;
	v18 =	vadd.f32 v26, v34;
	v26 =	vperm.xlane v17, v3  }
0x19c: {  	v34 =	vperm.xlane v16, v3;
	v52 =	vperm.xlane v15, v23;
	v31 =	vadd.f32 v31, v40  }
0x19d: {  	v6 =	vadd.f32 v6, v41;
	v17 =	vadd.f32 v17, v26;
	v26 =	vperm.xlane v18, v3  }
0x19e: {  	v42 =	vperm.xlane v8, v3;
	v16 =	vadd.f32 v16, v34;
	v40 =	vperm.xlane v31, v23  }
0x19f: {  	v15 =	vadd.f32 v15, v52;
	v41 =	vperm.xlane v6, v23;
	v18 =	vadd.f32 v18, v26  }
0x1a0: {  	v8 =	vadd.f32 v8, v42;
	v39 =	vperm.xlane v17, v23;
	v26 =	vperm.xlane v16, v23  }
0x1a1: {  	v15 =	vmul.f32 $1.562500000e-02, v15;
	v6 =	vadd.f32 v6, v41;
	v42 =	vperm.xlane v18, v23  }
0x1a2: {  	v17 =	vadd.f32 v17, v39;
	v16 =	vadd.f32 v16, v26;
	v26 =	vperm.xlane v8, v23  }
0x1a3: {  	v31 =	vadd.f32 v31, v40;
	v15 =	vadd.f32 $9.999999740e-06, v15;
	v6 =	vmul.f32 $1.562500000e-02, v6  }
0x1a4: {  	v17 =	vmul.f32 $1.562500000e-02, v17;
	v18 =	vadd.f32 v18, v42;
	v8 =	vadd.f32 v8, v26  }
0x1a5: {  	v16 =	vmul.f32 $1.562500000e-02, v16;
	v26 =	vmul.f32 $1.562500000e-02, v31;
	v31 =	vshra.s32 v15, $0x1  }
0x1a6: {  	v6 =	vadd.f32 $9.999999740e-06, v6;
	v15 =	vmul.f32 $-5.000000000e-01, v15;
	v31 =	vsub.s32 $0x5F3759DF, v31  }
0x1a7: {  	v17 =	vadd.f32 $9.999999740e-06, v17;
	v18 =	vmul.f32 $1.562500000e-02, v18;
	v16 =	vadd.f32 $9.999999740e-06, v16  }
0x1a8: {  	v26 =	vadd.f32 $9.999999740e-06, v26;
	v8 =	vmul.f32 $1.562500000e-02, v8;
	v41 =	vshra.s32 v6, $0x1  }
0x1a9: {  	v38 =	vmul.f32 v31, v31;
	v6 =	vmul.f32 $-5.000000000e-01, v6;
	v35 =	vsub.s32 $0x5F3759DF, v41  }
0x1aa: {  	v18 =	vadd.f32 $9.999999740e-06, v18;
	v52 =	vshra.s32 v17, $0x1;
	v33 =	vshra.s32 v16, $0x1  }
0x1ab: {  	v8 =	vadd.f32 $9.999999740e-06, v8;
	v51 =	vmul.f32 v35, v35;
	v17 =	vmul.f32 $-5.000000000e-01, v17  }
0x1ac: {  	v40 =	vshra.s32 v26, $0x1;
	v16 =	vmul.f32 $-5.000000000e-01, v16;
	v26 =	vmul.f32 $-5.000000000e-01, v26  }
0x1ad: {  	v38 =	vmul.f32 v38, v15;
	v32 =	vsub.s32 $0x5F3759DF, v52;
	v33 =	vsub.s32 $0x5F3759DF, v33  }
0x1ae: {  	v34 =	vsub.s32 $0x5F3759DF, v40;
	v42 =	vshra.s32 v18, $0x1;
	v39 =	vmul.f32 v32, v32  }
0x1af: {  	v45 =	vld [tilespmem:$0x1FE10];
	v52 =	vshra.s32 v8, $0x1;
	v40 =	vmul.f32 v33, v33;
	v18 =	vmul.f32 $-5.000000000e-01, v18  }
0x1b0: {  	v8 =	vmul.f32 $-5.000000000e-01, v8;
	v38 =	vadd.f32 $1.500000000e+00, v38;
	v51 =	vmul.f32 v51, v6  }
0x1b1: {  	[tilespmem:s15+$0xFFFFFF30] =	vst v46;
	v36 =	vsub.s32 $0x5F3759DF, v42;
	v37 =	vsub.s32 $0x5F3759DF, v52;
	v42 =	vmul.f32 v34, v34  }
0x1b2: {  	[tilespmem:$0x1FFF0] =	vst v7;
	v52 =	vmul.f32 v36, v36;
	v7 =	vmul.f32 v37, v37;
	v46 =	vadd.f32 $1.500000000e+00, v51;
	v51 =	vld [tilespmem:$0x1FE40]  }
0x1b3: {  	[tilespmem:s15+$0xFFFFFEA0] =	vst v10;
	v10 =	vadd.f32 v44, v50;
	v39 =	vmul.f32 v39, v17;
	v40 =	vmul.f32 v40, v16  }
0x1b4: {  	v41 =	vadd.f32 v45, v50;
	v31 =	vmul.f32 v31, v38;
	v42 =	vmul.f32 v42, v26  }
0x1b5: {  	v39 =	vadd.f32 $1.500000000e+00, v39;
	v52 =	vmul.f32 v52, v18;
	v7 =	vmul.f32 v7, v8  }
0x1b6: {  	v47 =	vld [tilespmem:$0x1FE70];
	[tilespmem:s15+$0xFFFFFF00] =	vst v10;
	v10 =	vadd.f32 $1.500000000e+00, v40;
	v35 =	vmul.f32 v35, v46;
	v44 =	vadd.f32 $1.500000000e+00, v42  }
0x1b7: {  	[tilespmem:s15+$0xFFFFFF80] =	vst v41;
	v32 =	vmul.f32 v32, v39;
	v41 =	vadd.f32 $1.500000000e+00, v52;
	v52 =	vadd.f32 v51, v11;
	v51 =	vld [tilespmem:$0x1FE60]  }
0x1b8: {  	v33 =	vmul.f32 v33, v10;
	v7 =	vadd.f32 $1.500000000e+00, v7;
	v39 =	vmul.f32 v31, v31  }
0x1b9: {  	v34 =	vmul.f32 v34, v44;
	v44 =	vmul.f32 v35, v35  }
0x1ba: {  	v36 =	vmul.f32 v36, v41;
	v7 =	vmul.f32 v37, v7  }
0x1bb: {  	[tilespmem:s15+$0x0] =	vst v49;
	v49 =	vadd.f32 v47, v0;
	v41 =	vmul.f32 v33, v33;
	v39 =	vmul.f32 v39, v15  }
0x1bc: {  	v40 =	vmul.f32 v32, v32;
	[tilespmem:s15+$0xFFFFFFB0] =	vst v52;
	v46 =	vmul.f32 v7, v7;
	v52 =	vadd.f32 v51, v19;
	v51 =	vld [tilespmem:$0x1FE80]  }
0x1bd: {  	[tilespmem:s15+$0x20] =	vst v49;
	v49 =	vld [tilespmem:$0x1FE90];
	v42 =	vmul.f32 v34, v34;
	v41 =	vmul.f32 v41, v16;
	v39 =	vadd.f32 $1.500000000e+00, v39  }
0x1be: {  	v44 =	vmul.f32 v44, v6;
	v47 =	vmul.f32 v46, v8  }
0x1bf: {  	v45 =	vmul.f32 v36, v36;
	v10 =	vadd.f32 $1.500000000e+00, v41;
	v31 =	vmul.f32 v39, v31  }
0x1c0: {  	v40 =	vmul.f32 v40, v17;
	v42 =	vmul.f32 v42, v26;
	v41 =	vadd.f32 $1.500000000e+00, v47  }
0x1c1: {  	[tilespmem:s15+$0x10] =	vst v52;
	v33 =	vmul.f32 v10, v33;
	v39 =	vmul.f32 v31, v31;
	v47 =	vld [tilespmem:$0x1FEC0];
	v52 =	vadd.f32 v51, v11  }
0x1c2: {  	v7 =	vmul.f32 v41, v7;
	v51 =	vadd.f32 v49, v50;
	v49 =	vadd.f32 $1.500000000e+00, v42;
	v42 =	vld [tilespmem:$0x1FEA0]  }
0x1c3: {  	v41 =	vmul.f32 v33, v33;
	v15 =	vmul.f32 v39, v15  }
0x1c4: {  	v45 =	vmul.f32 v45, v18;
	[tilespmem:s15+$0x80] =	vst v51;
	v51 =	vadd.f32 $1.500000000e+00, v44  }
0x1c5: {  	v16 =	vmul.f32 v41, v16;
	v15 =	vadd.f32 $1.500000000e+00, v15;
	[tilespmem:s15+$0x30] =	vst v52;
	v52 =	vadd.f32 $1.500000000e+00, v40  }
0x1c6: {  	v34 =	vmul.f32 v49, v34;
	v49 =	vadd.f32 v47, v11;
	v35 =	vmul.f32 v51, v35;
	v51 =	vld [tilespmem:$0x1FED0]  }
0x1c7: {  	v47 =	vld [tilespmem:$0x1FEE0];
	v16 =	vadd.f32 $1.500000000e+00, v16;
	v44 =	vadd.f32 v42, v19  }
0x1c8: {  	v15 =	vmul.f32 v15, v31;
	v32 =	vmul.f32 v52, v32;
	v52 =	vadd.f32 $1.500000000e+00, v45;
	v45 =	vld [tilespmem:$0x1FEB0]  }
0x1c9: {  	v42 =	vmul.f32 v34, v34;
	[tilespmem:s15+$0x90] =	vst v44;
	v44 =	vmul.f32 v35, v35  }
0x1ca: {  	v16 =	vmul.f32 v16, v33;
	v36 =	vmul.f32 v52, v36  }
0x1cb: {  	v40 =	vmul.f32 v32, v32;
	v52 =	vadd.f32 v51, v50;
	v51 =	vld [tilespmem:$0x1FEF0];
	v6 =	vmul.f32 v44, v6  }
0x1cc: {  	[tilespmem:s15+$0xB0] =	vst v49;
	v49 =	vadd.f32 v47, v19;
	v26 =	vmul.f32 v42, v26;
	v42 =	vmul.f32 v16, v59  }
0x1cd: {  	v17 =	vmul.f32 v40, v17;
	v40 =	vld [tilespmem:$0x1FF00];
	v46 =	vadd.f32 v45, v0;
	v6 =	vadd.f32 $1.500000000e+00, v6  }
0x1ce: {  	v41 =	vmul.f32 v16, v63;
	v45 =	vmul.f32 v36, v36;
	[tilespmem:s15+$0x110] =	vst v49  }
0x1cf: {  	v26 =	vadd.f32 $1.500000000e+00, v26;
	v44 =	vmul.f32 v16, v61;
	[tilespmem:s15+$0xA0] =	vst v46;
	v39 =	vmul.f32 v6, v35;
	v6 =	vld [tilespmem:$0x1FF30]  }
0x1d0: {  	v49 =	vld [tilespmem:$0x1FF10];
	v17 =	vadd.f32 $1.500000000e+00, v17;
	v46 =	vmul.f32 v7, v7;
	[tilespmem:s15+$0x100] =	vst v52;
	v52 =	vadd.f32 v51, v0  }
0x1d1: {  	v18 =	vmul.f32 v45, v18;
	v26 =	vmul.f32 v26, v34  }
0x1d2: {  	v34 =	vmul.f32 v15, v56;
	v17 =	vmul.f32 v17, v32;
	v47 =	vadd.f32 v40, v11;
	[tilespmem:s15+$0x120] =	vst v52;
	v52 =	vld [tilespmem:$0x1FF20]  }
0x1d3: {  	v8 =	vmul.f32 v46, v8;
	v18 =	vadd.f32 $1.500000000e+00, v18;
	v40 =	vmul.f32 v16, v62  }
0x1d4: {  	s16 =	sadd.s32 $0x8, s16;
	v33 =	vmul.f32 v26, v53;
	v32 =	vmul.f32 v26, v27;
	v6 =	vadd.f32 v6, v0;
	v0 =	vld [tilespmem:$0x1FF40]  }
0x1d5: {  	p0 =	slt.u32 s16, $0x1F8;
	v51 =	vadd.f32 v49, v50;
	v49 =	vmul.f32 v15, v54;
	v50 =	vmul.f32 v15, v48  }
.Ltmp1:
0x1d6: {  	v46 =	vmul.f32 v17, v60;
	v45 =	vmul.f32 v17, v58;
	v8 =	vadd.f32 $1.500000000e+00, v8;
	(pc) =	sbr.rel @p0 .LBB2_4-.Ltmp1, $4  }
0x1d7: {  	[tilespmem:s15+$0x130] =	vst v47;
	v38 =	vmul.f32 v18, v36;
	v47 =	vmul.f32 v17, v57;
	v31 =	vadd.f32 v52, v19  }
0x1d8: {  	[tilespmem:s15+$0x180] =	vst v51;
	v51 =	vmul.f32 v15, v55;
	v37 =	vmul.f32 v8, v7  }
0x1d9: {  	v62 =	vmovc v14;
	v14 =	vmov v5;
	[tilespmem:s15+$0x190] =	vst v31;
	v48 =	vmul.f32 v17, v0;
	v31 =	vmul.f32 v26, v28  }
0x1da: {  	v5 =	vmovc v9;
	v15 =	vmov v4;
	[tilespmem:s15+$0x1A0] =	vst v6;
	s15 =	smov.u32 s17;
	v28 =	vmul.f32 v26, v29;
	v29 =	vmul.f32 v39, v30;
	s17 =	sadd.s32 $0x400, s17  }
0x1db: {  	v17 =	vld [tilespmem:$0x1FF80];
	_ =	sdelay $0x1  }
0x1dc: {  	v0 =	vld [tilespmem:$0x1FFB0];
	_ =	sdelay $0x2  }
0x1dd: {  	v4 =	vmul.f32 v49, v17  }
0x1de: {  	v19 =	vld [tilespmem:$0x1FF90]  }
0x1df: {  	v18 =	vld [tilespmem:$0x1FFA0];
	v4 =	vadd.f32 v4, v0  }
0x1e0: {  	v10 =	vld [tilespmem:$0x1FF70]  }
0x1e1: {  	v26 =	vld [tilespmem:$0x1FFC0];
	[tilespmem:s15+$0xFFFFFE00] =	vst v4  }
0x1e2: {  	v27 =	vld [tilespmem:$0x1FFE0];
	_ =	sdelay $0x1  }
0x1e3: {  	v6 =	vmul.f32 v51, v19  }
0x1e4: {  	v7 =	vmul.f32 v34, v18  }
0x1e5: {  	v54 =	vmul.f32 v47, v19;
	v6 =	vadd.f32 v6, v26  }
0x1e6: {  	v9 =	vmul.f32 v48, v17;
	v4 =	vadd.f32 v7, v27  }
0x1e7: {  	v60 =	vmul.f32 v42, v19;
	v58 =	vadd.f32 v54, v26;
	[tilespmem:s15+$0xFFFFFE10] =	vst v6  }
0x1e8: {  	v56 =	vmul.f32 v46, v18;
	v11 =	vld [tilespmem:$0x1FFD0];
	[tilespmem:s15+$0xFFFFFE20] =	vst v4;
	v4 =	vadd.f32 v9, v0  }
0x1e9: {  	v34 =	vmul.f32 v32, v19;
	v48 =	vmul.f32 v38, v22;
	v30 =	vadd.f32 v60, v26;
	[tilespmem:s15+$0xFFFFFE90] =	vst v58  }
0x1ea: {  	v59 =	vmul.f32 v44, v17;
	[tilespmem:s15+$0xFFFFFE80] =	vst v4;
	v4 =	vadd.f32 v56, v27  }
0x1eb: {  	v42 =	vadd.f32 v34, v26;
	v51 =	vmul.f32 v48, v19;
	[tilespmem:s15+$0xFFFFFF10] =	vst v30  }
0x1ec: {  	v63 =	vmul.f32 v41, v18;
	[tilespmem:s15+$0xFFFFFEA0] =	vst v4;
	v4 =	vadd.f32 v59, v0  }
0x1ed: {  	v8 =	vmul.f32 v50, v10;
	v54 =	vadd.f32 v51, v26;
	[tilespmem:s15+$0xFFFFFF90] =	vst v42  }
0x1ee: {  	v33 =	vmul.f32 v33, v17;
	[tilespmem:s15+$0xFFFFFF00] =	vst v4;
	v4 =	vadd.f32 v63, v27  }
0x1ef: {  	v57 =	vmul.f32 v45, v10;
	[tilespmem:s15+$0x90] =	vst v54;
	v55 =	vadd.f32 v8, v11  }
0x1f0: {  	v16 =	vmul.f32 v40, v10;
	v36 =	vmul.f32 v31, v18;
	[tilespmem:s15+$0xFFFFFF20] =	vst v4;
	v4 =	vadd.f32 v33, v0  }
0x1f1: {  	v40 =	vmul.f32 v39, v15;
	v44 =	vmul.f32 v39, v5;
	v61 =	vadd.f32 v57, v11;
	[tilespmem:s15+$0xFFFFFE30] =	vst v55  }
0x1f2: {  	v35 =	vadd.f32 v16, v11;
	v16 =	vmul.f32 v29, v17;
	[tilespmem:s15+$0xFFFFFF80] =	vst v4;
	v4 =	vadd.f32 v36, v27  }
0x1f3: {  	v41 =	vmul.f32 v28, v10;
	v45 =	vmul.f32 v39, v24;
	[tilespmem:s15+$0xFFFFFEB0] =	vst v61  }
0x1f4: {  	v47 =	vmul.f32 v38, v13;
	v9 =	vmul.f32 v44, v18;
	[tilespmem:s15+$0xFFFFFFA0] =	vst v4;
	v4 =	vadd.f32 v16, v0  }
0x1f5: {  	v50 =	vmul.f32 v38, v21;
	v7 =	vmul.f32 v45, v10;
	v46 =	vadd.f32 v41, v11;
	[tilespmem:s15+$0xFFFFFF30] =	vst v35  }
0x1f6: {  	v15 =	vmul.f32 v47, v17;
	v8 =	vmul.f32 v40, v19;
	[tilespmem:s15+$0x0] =	vst v4;
	v4 =	vadd.f32 v9, v27  }
0x1f7: {  	v5 =	vmul.f32 v38, v20;
	v52 =	vadd.f32 v7, v11;
	[tilespmem:s15+$0xFFFFFFB0] =	vst v46  }
0x1f8: {  	v49 =	vadd.f32 v8, v26;
	v8 =	vmul.f32 v50, v18;
	[tilespmem:s15+$0x20] =	vst v4;
	v4 =	vadd.f32 v15, v0  }
0x1f9: {  	v5 =	vmul.f32 v5, v10;
	[tilespmem:s15+$0x30] =	vst v52  }
0x1fa: {  	[tilespmem:s15+$0x80] =	vst v4;
	v4 =	vadd.f32 v8, v27  }
0x1fb: {  	v5 =	vadd.f32 v5, v11;
	[tilespmem:s15+$0x10] =	vst v49  }
0x1fc: {  	[tilespmem:s15+$0xA0] =	vst v4  }
0x1fd: {  	v58 =	vld [tilespmem:$0x1FF50];
	[tilespmem:s15+$0xB0] =	vst v5  }
0x1fe: {  	v53 =	vmul.f32 v37, v12;
	v59 =	vld [tilespmem:$0x1FF60]  }
0x1ff: {  	v14 =	vmul.f32 v37, v14;
	v60 =	vld [tilespmem:$0x1FFF0]  }
0x200: {  	v7 =	vmul.f32 v53, v17;
	v55 =	vmul.f32 v37, v62  }
0x201: {  	v14 =	vmul.f32 v14, v19;
	v56 =	vmul.f32 v37, v43  }
0x202: {  	v57 =	vmul.f32 v55, v18;
	v4 =	vadd.f32 v7, v0  }
0x203: {  	v8 =	vmul.f32 v56, v10;
	v5 =	vadd.f32 v14, v26;
	v7 =	vmul.f32 v25, v58  }
0x204: {  	[tilespmem:s15+$0x100] =	vst v4;
	v4 =	vadd.f32 v57, v27;
	v9 =	vmul.f32 v25, v59;
	v61 =	vmul.f32 v60, v17  }
0x205: {  	[tilespmem:s15+$0x110] =	vst v5;
	v5 =	vadd.f32 v8, v11;
	v62 =	vmul.f32 v7, v19  }
0x206: {  	[tilespmem:s15+$0x120] =	vst v4;
	v63 =	vmul.f32 v9, v18;
	v4 =	vadd.f32 v61, v0  }
0x207: {  	[tilespmem:s15+$0x130] =	vst v5;
	v5 =	vadd.f32 v62, v26  }
0x208: {  	s14 =	sadd.s32 $0x1, s14;
	[tilespmem:s15+$0x180] =	vst v4;
	v4 =	vadd.f32 v63, v27  }
0x209: {  	p0 =	sne.s32 s14, s8;
	[tilespmem:s15+$0x190] =	vst v5  }
.Ltmp2:
0x20a: {  	[tilespmem:s15+$0x1A0] =	vst v4;
	(pc) =	sbr.rel @p0 .LBB2_1-.Ltmp2, $4  }
0x20b: {  	[hbm4b:s7+s4] =	stream.linear.scatter [tilespmem:s13], [sflag:$0x2], $0x10000, $0x38;
	[tilespmem:$0x10300] =	vst v63  }
0x20c: {  	_ =	swait.ge [sflag:s9], $0x10000  }
0x20d: {  	[sflag:s9] =	ssyncset.done $0x0  }
0x20e: {  	v0 =	vmov v1;
	v1 =	vmov v23;
	[sflag:s9] =	ssyncadd.s32 $0xFFFF0000  }
0x20f: {  	_ =	sfence.sel $0x180000  }
0x210: {  	[bflag:$0x0] =	sbarrier.arrive $0xFFFF  }
0x211: {  	_ =	strace $0x90000047  }
0x212: {  	s0 =	stileid.u32;
	[bflag:$0x2] =	sbarrier.arrive $0xFFFF  }
0x213: {  	p0 =	sne.s32 s0, $0x0;
	s0 =	rddreg [dreg:$0x4]  }
0x214: {  	s0 =	sadd.s32 @!p0 $0x100000, s0  }
0x215: {  	[sflag:s0] =	ssyncadd.tile.s32 @!p0 $0x1;
	_ =	shalt  }
.Lfunc_end2:
_tile_overlayer_lowered:
.L_overlay_start_2:
0x216: {  	(tag) =	ssettag $0x2  }
0x217: {  	s0 =	rddreg [dreg:$0x0];
	s2 =	stileid.u32  }
0x218: {  	s1 =	rddreg [dreg:$0x1];
	p0 =	sne.s32 s2, $0x0  }
0x219: {  	s3 =	rddreg [dreg:$0x2];
	[bflag:$0x3] =	sbarrier.arrive $0xFFFF;
	s2 =	simm.s32 @!p0 $0x1C02  }
0x21a: {  	[timem:s3], [sflag:s2] =	dma.local @!p0 [hbm:s0], s1  }
0x21b: {  	s0 =	simm.s32 @!p0 $0x2  }
0x21c: {  	_ =	swait.ge @!p0 [sflag:s0], s1  }
0x21d: {  	s1 =	ssub.s32 @!p0 $0x0, s1;
	[sflag:s0] =	ssyncset.done @!p0 $0x0  }
0x21e: {  	[sflag:s0] =	ssyncadd.s32 @!p0 s1  }
0x21f: {  	[bflag:$0x3] =	sbarrier.arrive $0xFFFF  }
0x220: {  	_ =	shalt  }

</sc_bundles>
